<compile_context>
chip_gen: v7x
topology: tpu7x:2x2x1
jax: 0.10.2.dev20260603
libtpu: 0.0.44.dev20260713+nightly
codegen_flags: <defaults>
</compile_context>

<pallas_src>
import dataclasses
import functools

import jax
import jax.numpy as jnp
from jax import lax
from jax.experimental import pallas as pl
from jax.experimental.pallas import tpu as pltpu
from jax.experimental.pallas import tpu_sc as plsc

N_NODES = 10000
E_EDGES = 320000
F = 128
FH = F // 2
POOL = 1024
NROWS = 640
NC, NS, L = 2, 16, 16

EA = E_EDGES // NS
CA = 400
CD = 80


def _t1_body(x_ref, g_ref, be_ref, mu_ref, var_ref, w_ref, o_ref):
    s = g_ref[...] * lax.rsqrt(var_ref[...] + 1e-5)
    t = be_ref[...] - mu_ref[...] * s
    xbn = x_ref[...] * s + t
    o_ref[...] = jnp.dot(xbn, w_ref[...], preferred_element_type=jnp.float32)


def _t1(x, gamma, beta, mu, var, W):
    n = x.shape[0]
    blk = 1000
    grid = n // blk
    return pl.pallas_call(
        _t1_body,
        grid=(grid,),
        in_specs=[
            pl.BlockSpec((blk, F), lambda i: (i, 0)),
            pl.BlockSpec((1, F), lambda i: (0, 0)),
            pl.BlockSpec((1, F), lambda i: (0, 0)),
            pl.BlockSpec((1, F), lambda i: (0, 0)),
            pl.BlockSpec((1, F), lambda i: (0, 0)),
            pl.BlockSpec((F, F), lambda i: (0, 0)),
        ],
        out_specs=pl.BlockSpec((blk, F), lambda i: (i, 0)),
        out_shape=jax.ShapeDtypeStruct((n, F), jnp.float32),
    )(x, gamma, beta, mu, var, W)


def _splat(v16, k):
    return lax.gather(
        v16, jnp.full((L, 1), k, jnp.int32),
        lax.GatherDimensionNumbers(offset_dims=(), collapsed_slice_dims=(0,),
                                   start_index_map=(0,)),
        slice_sizes=(1,), mode=lax.GatherScatterMode.PROMISE_IN_BOUNDS)


def _sc_body(src_hbm, dst_hbm, ew_hbm, xwh_hbm, rid_hbm,
             acc_hbm, dinv_hbm,
             deg_ts, dinv_ts, loc40, rows_v, rid_ts,
             srcD, dstD, ewD, dstA, ewA,
             deg_sh, dinv_sh, acc_sh, sem):
    cid = lax.axis_index("c")
    sid = lax.axis_index("s")
    zero16 = jnp.zeros((L,), jnp.float32)

    pltpu.sync_copy(rid_hbm, rid_ts)

    @pl.loop(0, NROWS)
    def _(r):
        deg_ts.at[r][...] = zero16

    @pl.loop(0, CD)
    def _(r):
        for j in range(FH // L):
            rows_v.at[r, pl.ds(j * L, L)][...] = zero16

    @pl.loop(0, 40)
    def _(r):
        loc40.at[r][...] = zero16

    for k in range(640 // CD):
        pltpu.sync_copy(rows_v, acc_sh.at[pl.ds(sid * 640 + k * CD, CD)])
    pltpu.sync_copy(loc40, deg_sh.at[pl.ds(sid * 40, 40)])
    plsc.subcore_barrier()

    baseA = sid * EA

    @pl.loop(0, EA // CA)
    def _(ci):
        off = baseA + ci * CA
        pltpu.sync_copy(dst_hbm.at[pl.ds(off, CA)], dstA)
        pltpu.sync_copy(ew_hbm.at[pl.ds(off, CA)], ewA)

        @pl.loop(0, CA // L)
        def _(j):
            d16 = dstA[pl.ds(j * L, L)]
            w16 = ewA[pl.ds(j * L, L)]
            r16 = jnp.right_shift(d16, 4)
            c16 = jnp.bitwise_and(d16, 15)
            plsc.addupdate_scatter(deg_ts, [r16, c16], w16)

    for k in range(NROWS // 128):
        pltpu.sync_copy(deg_ts.at[pl.ds(k * 128, 128)],
                        deg_sh.at[rid_ts.at[k]], add=True)
    plsc.subcore_barrier()

    r0 = sid * 40
    pltpu.sync_copy(deg_sh.at[pl.ds(r0, 40)], loc40)

    @pl.loop(0, 40)
    def _(r):
        d = loc40.at[r][...] + 1.0
        i = lax.bitcast_convert_type(d, jnp.int32)
        i = jnp.int32(0x5F3759DF) - jnp.right_shift(i, 1)
        y = lax.bitcast_convert_type(i, jnp.float32)
        for _ in range(4):
            y = y * (1.5 - 0.5 * d * y * y)
        loc40.at[r][...] = jnp.where(d > 0.0, y, 0.0)

    pltpu.sync_copy(loc40, dinv_sh.at[pl.ds(r0, 40)])
    plsc.subcore_barrier()
    pltpu.sync_copy(dinv_sh, dinv_ts)

    @pl.when(jnp.logical_and(cid == 0, sid == 0))
    def _():
        pltpu.sync_copy(dinv_sh, dinv_hbm)

    table = xwh_hbm.at[cid]

    @pl.loop(0, EA // CD)
    def _(ci):
        off = baseA + ci * CD
        pltpu.sync_copy(src_hbm.at[pl.ds(off, CD)], srcD)
        pltpu.sync_copy(dst_hbm.at[pl.ds(off, CD)], dstD)
        pltpu.sync_copy(ew_hbm.at[pl.ds(off, CD)], ewD)
        pltpu.async_copy(table.at[srcD], rows_v, sem).wait()

        @pl.loop(0, CD // L)
        def _(j):
            s16 = srcD[pl.ds(j * L, L)]
            d16 = dstD[pl.ds(j * L, L)]
            w16 = ewD[pl.ds(j * L, L)]
            ds_ = plsc.load_gather(
                dinv_ts, [jnp.right_shift(s16, 4), jnp.bitwise_and(s16, 15)])
            dd_ = plsc.load_gather(
                dinv_ts, [jnp.right_shift(d16, 4), jnp.bitwise_and(d16, 15)])
            sc16 = w16 * ds_ * dd_
            for k in range(L):
                e = j * L + k
                w = _splat(sc16, k)
                for f in range(FH // L):
                    rows_v.at[e, pl.ds(f * L, L)][...] = (
                        rows_v.at[e, pl.ds(f * L, L)][...] * w)

        pltpu.sync_copy(rows_v, acc_sh.at[dstD], add=True)

    plsc.subcore_barrier()

    @pl.when(sid < NS - 1)
    def _():
        pltpu.sync_copy(acc_sh.at[pl.ds(sid * 640, 640)],
                        acc_hbm.at[cid].at[pl.ds(sid * 640, 640)])

    @pl.when(sid == NS - 1)
    def _():
        pltpu.sync_copy(acc_sh.at[pl.ds(9600, 400)],
                        acc_hbm.at[cid].at[pl.ds(9600, 400)])


def _sc_edge(src, dst, ew, xwh, rowids):
    mesh = plsc.VectorSubcoreMesh(core_axis_name="c", subcore_axis_name="s")
    cp = pltpu.CompilerParams(needs_layout_passes=False,
                              use_tc_tiling_on_sc=False)
    f = pl.kernel(
        _sc_body,
        mesh=mesh,
        compiler_params=cp,
        out_type=(jax.ShapeDtypeStruct((NC, N_NODES, FH), jnp.float32),
                  jax.ShapeDtypeStruct((NROWS, L), jnp.float32)),
        scratch_types=[
            pltpu.VMEM((NROWS, L), jnp.float32),
            pltpu.VMEM((NROWS, L), jnp.float32),
            pltpu.VMEM((40, L), jnp.float32),
            pltpu.VMEM((CD, FH), jnp.float32),
            pltpu.VMEM((NROWS // 128, 128), jnp.int32),
            pltpu.VMEM((CD,), jnp.int32),
            pltpu.VMEM((CD,), jnp.int32),
            pltpu.VMEM((CD,), jnp.float32),
            pltpu.VMEM((CA,), jnp.int32),
            pltpu.VMEM((CA,), jnp.float32),
            pltpu.VMEM_SHARED((NROWS, L), jnp.float32),
            pltpu.VMEM_SHARED((NROWS, L), jnp.float32),
            pltpu.VMEM_SHARED((NROWS * L, FH), jnp.float32),
            pltpu.SemaphoreType.DMA,
        ],
    )
    return f(src, dst, ew, xwh, rowids)


def _t2_body(p_ref, a0_ref, a1_ref, xw_ref, dinv_ref, b_ref, o_ref):
    @pl.when(pl.program_id(0) == 0)
    def _():
        o_ref[...] = jnp.zeros_like(o_ref)

    dinv = dinv_ref[...]
    acc = jnp.concatenate([a0_ref[...], a1_ref[...]], axis=1)
    x2 = acc + dinv * dinv * xw_ref[...] + b_ref[...]
    o_ref[...] += lax.dot_general(
        p_ref[...], x2, (((0,), (0,)), ((), ())),
        preferred_element_type=jnp.float32)


def _t2(P, acc0, acc1, xw, dinv2d, b2d):
    n = P.shape[0]
    blk = 1000
    grid = n // blk
    return pl.pallas_call(
        _t2_body,
        grid=(grid,),
        in_specs=[
            pl.BlockSpec((blk, POOL), lambda i: (i, 0)),
            pl.BlockSpec((blk, FH), lambda i: (i, 0)),
            pl.BlockSpec((blk, FH), lambda i: (i, 0)),
            pl.BlockSpec((blk, F), lambda i: (i, 0)),
            pl.BlockSpec((blk, 1), lambda i: (i, 0)),
            pl.BlockSpec((1, F), lambda i: (0, 0)),
        ],
        out_specs=pl.BlockSpec((POOL, F), lambda i: (0, 0)),
        out_shape=jax.ShapeDtypeStruct((POOL, F), jnp.float32),
    )(P, acc0, acc1, xw, dinv2d, b2d)


def kernel(x, edge_index, edge_weight, pool_index, emb_matrix,
           gamma, beta, running_mean, running_var, W, b):
    del emb_matrix
    ei = edge_index.astype(jnp.int32)
    src, dst = ei[0], ei[1]
    ew = edge_weight.astype(jnp.float32)

    xw = _t1(x, gamma.reshape(1, F), beta.reshape(1, F),
             running_mean.reshape(1, F), running_var.reshape(1, F), W)
    xwh = jnp.stack([xw[:, :FH], xw[:, FH:]])

    rowids = jnp.arange(NROWS, dtype=jnp.int32).reshape(NROWS // 128, 128)
    acc, dinv16 = _sc_edge(src, dst, ew, xwh, rowids)

    dinv2d = dinv16.reshape(NROWS * L, 1)[:N_NODES]
    return _t2(pool_index, acc[0], acc[1], xw, dinv2d, b.reshape(1, F))

# --- scband reference (transcript-rebuilt; emitter-appended) ---
"""Pipeline reference for scband-gcn-39487929319705 (READ-ONLY COPY).

The authoritative reference and input builder live on the scoring server;
editing this copy changes nothing except your own understanding.
"""

import jax, jax.numpy as jnp
import numpy as np

N_NODES = 10000
E_EDGES = 320000
IN_CH = 128
OUT_CH = 128
POOL_DIM = 1024


def setup_inputs(seed: int = 0) -> dict:
    key = jax.random.key(seed)
    ks = jax.random.split(key, 10)
    x = jax.random.normal(ks[0], (N_NODES, IN_CH), dtype=jnp.float32)
    edge_index = jax.random.randint(ks[1], (2, E_EDGES), 0, N_NODES, dtype=jnp.int64)
    edge_weight = jax.random.uniform(ks[2], (E_EDGES,), dtype=jnp.float32)
    pool_index = jax.random.uniform(ks[3], (N_NODES, POOL_DIM), dtype=jnp.float32)
    emb_matrix = jax.random.normal(ks[4], (1000, IN_CH), dtype=jnp.float32)
    # BatchNorm1d params (eval mode: running stats)
    gamma = jnp.ones((IN_CH,), dtype=jnp.float32)
    beta = jnp.zeros((IN_CH,), dtype=jnp.float32)
    running_mean = jnp.zeros((IN_CH,), dtype=jnp.float32)
    running_var = jnp.ones((IN_CH,), dtype=jnp.float32)
    # GCNConv params
    W = jax.random.normal(ks[5], (IN_CH, OUT_CH), dtype=jnp.float32) * (1.0 / np.sqrt(IN_CH))
    b = jnp.zeros((OUT_CH,), dtype=jnp.float32)
    return {"x": x, "edge_index": edge_index, "edge_weight": edge_weight,
            "pool_index": pool_index, "emb_matrix": emb_matrix,
            "gamma": gamma, "beta": beta, "running_mean": running_mean,
            "running_var": running_var, "W": W, "b": b}


def _gcn_conv(x, edge_index, edge_weight, W, b):
    # Faithful PyG GCNConv with normalize=True, add_self_loops=True
    N = x.shape[0]
    src = edge_index[0]
    dst = edge_index[1]
    loop = jnp.arange(N, dtype=edge_index.dtype)
    src = jnp.concatenate([src, loop])
    dst = jnp.concatenate([dst, loop])
    ew = jnp.concatenate([edge_weight, jnp.ones((N,), dtype=edge_weight.dtype)])
    deg = jnp.zeros((N,), dtype=edge_weight.dtype).at[dst].add(ew)
    deg_inv_sqrt = jnp.where(deg > 0, deg ** -0.5, 0.0)
    norm = deg_inv_sqrt[src] * ew * deg_inv_sqrt[dst]
    xw = x @ W
    msg = norm[:, None] * jnp.take(xw, src, axis=0)
    out = jnp.zeros((N, W.shape[1]), dtype=xw.dtype).at[dst].add(msg)
    return out + b


def reference(x, edge_index, edge_weight, pool_index, emb_matrix,
              gamma, beta, running_mean, running_var, W, b):
    # BatchNorm1d (eval mode); dropouts are identity in eval
    eps = 1e-5
    x = gamma * (x - running_mean) / jnp.sqrt(running_var + eps) + beta
    x1 = _gcn_conv(x, edge_index, edge_weight, W, b)
    x2 = x1  # dropout identity (eval)
    pi = pool_index  # dropout identity (eval)
    x3 = pi.T @ x2
    return x3

if __name__ == "__main__":
    import jax
    _d = setup_inputs()
    print(jax.jit(kernel)(*tuple(_d.values())))

</pallas_src>

<mosaic_0001>
#map = affine_map<(d0, d1) -> (0)>
#map1 = affine_map<(d0, d1) -> (0, 0, 0)>
#map2 = affine_map<(d0, d1) -> (0, 0)>
module attributes {stable_mosaic.version = 14 : i64} {
  func.func @_sc_body(%arg0: i32, %arg1: i32, %arg2: memref<320000xi32, #tpu.memory_space<hbm>>, %arg3: memref<320000xi32, #tpu.memory_space<hbm>>, %arg4: memref<320000xf32, #tpu.memory_space<hbm>>, %arg5: memref<2x10000x64xf32, #tpu.memory_space<hbm>>, %arg6: memref<5x128xi32, #tpu.memory_space<hbm>>, %arg7: memref<2x10000x64xf32, #tpu.memory_space<hbm>>, %arg8: memref<640x16xf32, #tpu.memory_space<hbm>>, %arg9: memref<640x16xf32, #tpu.memory_space<vmem>>, %arg10: memref<640x16xf32, #tpu.memory_space<vmem>>, %arg11: memref<40x16xf32, #tpu.memory_space<vmem>>, %arg12: memref<80x64xf32, #tpu.memory_space<vmem>>, %arg13: memref<5x128xi32, #tpu.memory_space<vmem>>, %arg14: memref<80xi32, #tpu.memory_space<vmem>>, %arg15: memref<80xi32, #tpu.memory_space<vmem>>, %arg16: memref<80xf32, #tpu.memory_space<vmem>>, %arg17: memref<400xi32, #tpu.memory_space<vmem>>, %arg18: memref<400xf32, #tpu.memory_space<vmem>>, %arg19: memref<640x16xf32, #tpu.memory_space<vmem_shared>>, %arg20: memref<640x16xf32, #tpu.memory_space<vmem_shared>>, %arg21: memref<10240x64xf32, #tpu.memory_space<vmem_shared>>, %arg22: memref<!tpu.dma_semaphore, #tpu.memory_space<semaphore_mem>>) attributes {dimension_semantics = [#tpu.dimension_semantics<core_parallel>, #tpu.dimension_semantics<subcore_parallel>], iteration_bounds = array<i64: 2, 16>, scalar_prefetch = 0 : i64, scratch_operands = 14 : i64, tpu.core_type = #tpu.core_type<sc_vector_subcore>, window_params = [{transform_indices = #map}, {transform_indices = #map}, {transform_indices = #map}, {transform_indices = #map1}, {transform_indices = #map2}, {transform_indices = #map1}, {transform_indices = #map2}]} {
    %broadcast_in_dim3A = arith.constant 0.000000e+00 : f32
    %broadcast_in_dim3A_0 = vector.broadcast %broadcast_in_dim3A : f32 to vector<16xf32>
    "tpu.region"() ({
      %run_scoped3A_86 = tpu.sem_alloc : memref<!tpu.dma_semaphore, #tpu.memory_space<semaphore_mem>>
      tpu.enqueue_dma source(%arg6 : memref<5x128xi32, #tpu.memory_space<hbm>>) target(%arg13 : memref<5x128xi32, #tpu.memory_space<vmem>>) target_semaphore(%run_scoped3A_86 : memref<!tpu.dma_semaphore, #tpu.memory_space<semaphore_mem>>)
      tpu.wait_dma2 semaphore(%run_scoped3A_86 : memref<!tpu.dma_semaphore, #tpu.memory_space<semaphore_mem>>) src(%arg6 : memref<5x128xi32, #tpu.memory_space<hbm>>) dst(%arg13 : memref<5x128xi32, #tpu.memory_space<vmem>>)
      tpu.yield
    }) : () -> ()
    %scan3A = arith.constant 0 : i32
    %scan3A_1 = arith.constant 640 : i32
    %scan3A_2 = arith.addi %scan3A, %scan3A_1 : i32
    %scan3A_3 = arith.constant 1 : i32
    scf.for %scan3A_86 = %scan3A to %scan3A_2 step %scan3A_3  : i32 {
      %mul3A_87 = arith.constant 1 : i32
      %mul3A_88 = arith.muli %scan3A_86, %mul3A_87 : i32
      %add3A_89 = arith.constant 0 : i32
      %add3A_90 = arith.addi %add3A_89, %mul3A_88 : i32
      %swap3A = arith.index_cast %add3A_90 : i32 to index
      %swap3A_91 = arith.constant 0 : index
      %swap3A_92 = tpu.vector_load %arg9[%swap3A, %swap3A_91] {strides = array<i32>} : memref<640x16xf32, #tpu.memory_space<vmem>>, vector<16xf32>,
      tpu.vector_store %arg9[%swap3A, %swap3A_91], %broadcast_in_dim3A_0 {strides = array<i32>} : memref<640x16xf32, #tpu.memory_space<vmem>>, vector<16xf32>,
    }
    %scan3A_4 = arith.constant 640 : i32
    %scan3A_5 = arith.constant 0 : i32
    %scan3A_6 = arith.constant 80 : i32
    %scan3A_7 = arith.addi %scan3A_5, %scan3A_6 : i32
    %scan3A_8 = arith.constant 1 : i32
    scf.for %scan3A_86 = %scan3A_5 to %scan3A_7 step %scan3A_8  : i32 {
      %mul3A_87 = arith.constant 1 : i32
      %mul3A_88 = arith.muli %scan3A_86, %mul3A_87 : i32
      %add3A_89 = arith.constant 0 : i32
      %add3A_90 = arith.addi %add3A_89, %mul3A_88 : i32
      %swap3A = arith.index_cast %add3A_90 : i32 to index
      %swap3A_91 = arith.constant 0 : index
      %swap3A_92 = tpu.vector_load %arg12[%swap3A, %swap3A_91] {strides = array<i32>} : memref<80x64xf32, #tpu.memory_space<vmem>>, vector<16xf32>,
      tpu.vector_store %arg12[%swap3A, %swap3A_91], %broadcast_in_dim3A_0 {strides = array<i32>} : memref<80x64xf32, #tpu.memory_space<vmem>>, vector<16xf32>,
      %swap3A_93 = arith.index_cast %add3A_90 : i32 to index
      %swap3A_94 = arith.constant 16 : index
      %swap3A_95 = tpu.vector_load %arg12[%swap3A_93, %swap3A_94] {strides = array<i32>} : memref<80x64xf32, #tpu.memory_space<vmem>>, vector<16xf32>,
      tpu.vector_store %arg12[%swap3A_93, %swap3A_94], %broadcast_in_dim3A_0 {strides = array<i32>} : memref<80x64xf32, #tpu.memory_space<vmem>>, vector<16xf32>,
      %swap3A_96 = arith.index_cast %add3A_90 : i32 to index
      %swap3A_97 = arith.constant 32 : index
      %swap3A_98 = tpu.vector_load %arg12[%swap3A_96, %swap3A_97] {strides = array<i32>} : memref<80x64xf32, #tpu.memory_space<vmem>>, vector<16xf32>,
      tpu.vector_store %arg12[%swap3A_96, %swap3A_97], %broadcast_in_dim3A_0 {strides = array<i32>} : memref<80x64xf32, #tpu.memory_space<vmem>>, vector<16xf32>,
      %swap3A_99 = arith.index_cast %add3A_90 : i32 to index
      %swap3A_100 = arith.constant 48 : index
      %swap3A_101 = tpu.vector_load %arg12[%swap3A_99, %swap3A_100] {strides = array<i32>} : memref<80x64xf32, #tpu.memory_space<vmem>>, vector<16xf32>,
      tpu.vector_store %arg12[%swap3A_99, %swap3A_100], %broadcast_in_dim3A_0 {strides = array<i32>} : memref<80x64xf32, #tpu.memory_space<vmem>>, vector<16xf32>,
    }
    %scan3A_9 = arith.constant 80 : i32
    %scan3A_10 = arith.constant 0 : i32
    %scan3A_11 = arith.constant 40 : i32
    %scan3A_12 = arith.addi %scan3A_10, %scan3A_11 : i32
    %scan3A_13 = arith.constant 1 : i32
    scf.for %scan3A_86 = %scan3A_10 to %scan3A_12 step %scan3A_13  : i32 {
      %mul3A_87 = arith.constant 1 : i32
      %mul3A_88 = arith.muli %scan3A_86, %mul3A_87 : i32
      %add3A_89 = arith.constant 0 : i32
      %add3A_90 = arith.addi %add3A_89, %mul3A_88 : i32
      %swap3A = arith.index_cast %add3A_90 : i32 to index
      %swap3A_91 = arith.constant 0 : index
      %swap3A_92 = tpu.vector_load %arg11[%swap3A, %swap3A_91] {strides = array<i32>} : memref<40x16xf32, #tpu.memory_space<vmem>>, vector<16xf32>,
      tpu.vector_store %arg11[%swap3A, %swap3A_91], %broadcast_in_dim3A_0 {strides = array<i32>} : memref<40x16xf32, #tpu.memory_space<vmem>>, vector<16xf32>,
    }
    %scan3A_14 = arith.constant 40 : i32
    %mul3A = arith.constant 640 : i32
    %mul3A_15 = arith.muli %arg1, %mul3A : i32
    %add3A = arith.constant 0 : i32
    %add3A_16 = arith.addi %mul3A_15, %add3A : i32
    "tpu.region"() ({
      %run_scoped3A_86 = tpu.sem_alloc : memref<!tpu.dma_semaphore, #tpu.memory_space<semaphore_mem>>
      %dma_start3A = arith.constant 0 : i32
      %dma_start3A_87 = tpu.memref_slice %arg21[%add3A_16, %dma_start3A] : memref<10240x64xf32, #tpu.memory_space<vmem_shared>> -> memref<80x64xf32, #tpu.memory_space<vmem_shared>>
      %dma_start3A_88 = arith.constant 0 : i32
      %dma_start3A_89 = tpu.memref_slice %arg21[%add3A_16, %dma_start3A_88] : memref<10240x64xf32, #tpu.memory_space<vmem_shared>> -> memref<80x64xf32, #tpu.memory_space<vmem_shared>>
      tpu.enqueue_dma source(%arg12 : memref<80x64xf32, #tpu.memory_space<vmem>>) target(%dma_start3A_89 : memref<80x64xf32, #tpu.memory_space<vmem_shared>>) target_semaphore(%run_scoped3A_86 : memref<!tpu.dma_semaphore, #tpu.memory_space<semaphore_mem>>)
      %dma_wait3A = arith.constant 0 : i32
      %dma_wait3A_90 = tpu.memref_slice %arg21[%add3A_16, %dma_wait3A] : memref<10240x64xf32, #tpu.memory_space<vmem_shared>> -> memref<80x64xf32, #tpu.memory_space<vmem_shared>>
      %dma_wait3A_91 = arith.constant 0 : i32
      %dma_wait3A_92 = tpu.memref_slice %arg21[%add3A_16, %dma_wait3A_91] : memref<10240x64xf32, #tpu.memory_space<vmem_shared>> -> memref<80x64xf32, #tpu.memory_space<vmem_shared>>
      tpu.wait_dma2 semaphore(%run_scoped3A_86 : memref<!tpu.dma_semaphore, #tpu.memory_space<semaphore_mem>>) src(%arg12 : memref<80x64xf32, #tpu.memory_space<vmem>>) dst(%dma_wait3A_92 : memref<80x64xf32, #tpu.memory_space<vmem_shared>>)
      tpu.yield
    }) : () -> ()
    %mul3A_17 = arith.constant 640 : i32
    %mul3A_18 = arith.muli %arg1, %mul3A_17 : i32
    %add3A_19 = arith.constant 80 : i32
    %add3A_20 = arith.addi %mul3A_18, %add3A_19 : i32
    "tpu.region"() ({
      %run_scoped3A_86 = tpu.sem_alloc : memref<!tpu.dma_semaphore, #tpu.memory_space<semaphore_mem>>
      %dma_start3A = arith.constant 0 : i32
      %dma_start3A_87 = tpu.memref_slice %arg21[%add3A_20, %dma_start3A] : memref<10240x64xf32, #tpu.memory_space<vmem_shared>> -> memref<80x64xf32, #tpu.memory_space<vmem_shared>>
      %dma_start3A_88 = arith.constant 0 : i32
      %dma_start3A_89 = tpu.memref_slice %arg21[%add3A_20, %dma_start3A_88] : memref<10240x64xf32, #tpu.memory_space<vmem_shared>> -> memref<80x64xf32, #tpu.memory_space<vmem_shared>>
      tpu.enqueue_dma source(%arg12 : memref<80x64xf32, #tpu.memory_space<vmem>>) target(%dma_start3A_89 : memref<80x64xf32, #tpu.memory_space<vmem_shared>>) target_semaphore(%run_scoped3A_86 : memref<!tpu.dma_semaphore, #tpu.memory_space<semaphore_mem>>)
      %dma_wait3A = arith.constant 0 : i32
      %dma_wait3A_90 = tpu.memref_slice %arg21[%add3A_20, %dma_wait3A] : memref<10240x64xf32, #tpu.memory_space<vmem_shared>> -> memref<80x64xf32, #tpu.memory_space<vmem_shared>>
      %dma_wait3A_91 = arith.constant 0 : i32
      %dma_wait3A_92 = tpu.memref_slice %arg21[%add3A_20, %dma_wait3A_91] : memref<10240x64xf32, #tpu.memory_space<vmem_shared>> -> memref<80x64xf32, #tpu.memory_space<vmem_shared>>
      tpu.wait_dma2 semaphore(%run_scoped3A_86 : memref<!tpu.dma_semaphore, #tpu.memory_space<semaphore_mem>>) src(%arg12 : memref<80x64xf32, #tpu.memory_space<vmem>>) dst(%dma_wait3A_92 : memref<80x64xf32, #tpu.memory_space<vmem_shared>>)
      tpu.yield
    }) : () -> ()
    %mul3A_21 = arith.constant 640 : i32
    %mul3A_22 = arith.muli %arg1, %mul3A_21 : i32
    %add3A_23 = arith.constant 160 : i32
    %add3A_24 = arith.addi %mul3A_22, %add3A_23 : i32
    "tpu.region"() ({
      %run_scoped3A_86 = tpu.sem_alloc : memref<!tpu.dma_semaphore, #tpu.memory_space<semaphore_mem>>
      %dma_start3A = arith.constant 0 : i32
      %dma_start3A_87 = tpu.memref_slice %arg21[%add3A_24, %dma_start3A] : memref<10240x64xf32, #tpu.memory_space<vmem_shared>> -> memref<80x64xf32, #tpu.memory_space<vmem_shared>>
      %dma_start3A_88 = arith.constant 0 : i32
      %dma_start3A_89 = tpu.memref_slice %arg21[%add3A_24, %dma_start3A_88] : memref<10240x64xf32, #tpu.memory_space<vmem_shared>> -> memref<80x64xf32, #tpu.memory_space<vmem_shared>>
      tpu.enqueue_dma source(%arg12 : memref<80x64xf32, #tpu.memory_space<vmem>>) target(%dma_start3A_89 : memref<80x64xf32, #tpu.memory_space<vmem_shared>>) target_semaphore(%run_scoped3A_86 : memref<!tpu.dma_semaphore, #tpu.memory_space<semaphore_mem>>)
      %dma_wait3A = arith.constant 0 : i32
      %dma_wait3A_90 = tpu.memref_slice %arg21[%add3A_24, %dma_wait3A] : memref<10240x64xf32, #tpu.memory_space<vmem_shared>> -> memref<80x64xf32, #tpu.memory_space<vmem_shared>>
      %dma_wait3A_91 = arith.constant 0 : i32
      %dma_wait3A_92 = tpu.memref_slice %arg21[%add3A_24, %dma_wait3A_91] : memref<10240x64xf32, #tpu.memory_space<vmem_shared>> -> memref<80x64xf32, #tpu.memory_space<vmem_shared>>
      tpu.wait_dma2 semaphore(%run_scoped3A_86 : memref<!tpu.dma_semaphore, #tpu.memory_space<semaphore_mem>>) src(%arg12 : memref<80x64xf32, #tpu.memory_space<vmem>>) dst(%dma_wait3A_92 : memref<80x64xf32, #tpu.memory_space<vmem_shared>>)
      tpu.yield
    }) : () -> ()
    %mul3A_25 = arith.constant 640 : i32
    %mul3A_26 = arith.muli %arg1, %mul3A_25 : i32
    %add3A_27 = arith.constant 240 : i32
    %add3A_28 = arith.addi %mul3A_26, %add3A_27 : i32
    "tpu.region"() ({
      %run_scoped3A_86 = tpu.sem_alloc : memref<!tpu.dma_semaphore, #tpu.memory_space<semaphore_mem>>
      %dma_start3A = arith.constant 0 : i32
      %dma_start3A_87 = tpu.memref_slice %arg21[%add3A_28, %dma_start3A] : memref<10240x64xf32, #tpu.memory_space<vmem_shared>> -> memref<80x64xf32, #tpu.memory_space<vmem_shared>>
      %dma_start3A_88 = arith.constant 0 : i32
      %dma_start3A_89 = tpu.memref_slice %arg21[%add3A_28, %dma_start3A_88] : memref<10240x64xf32, #tpu.memory_space<vmem_shared>> -> memref<80x64xf32, #tpu.memory_space<vmem_shared>>
      tpu.enqueue_dma source(%arg12 : memref<80x64xf32, #tpu.memory_space<vmem>>) target(%dma_start3A_89 : memref<80x64xf32, #tpu.memory_space<vmem_shared>>) target_semaphore(%run_scoped3A_86 : memref<!tpu.dma_semaphore, #tpu.memory_space<semaphore_mem>>)
      %dma_wait3A = arith.constant 0 : i32
      %dma_wait3A_90 = tpu.memref_slice %arg21[%add3A_28, %dma_wait3A] : memref<10240x64xf32, #tpu.memory_space<vmem_shared>> -> memref<80x64xf32, #tpu.memory_space<vmem_shared>>
      %dma_wait3A_91 = arith.constant 0 : i32
      %dma_wait3A_92 = tpu.memref_slice %arg21[%add3A_28, %dma_wait3A_91] : memref<10240x64xf32, #tpu.memory_space<vmem_shared>> -> memref<80x64xf32, #tpu.memory_space<vmem_shared>>
      tpu.wait_dma2 semaphore(%run_scoped3A_86 : memref<!tpu.dma_semaphore, #tpu.memory_space<semaphore_mem>>) src(%arg12 : memref<80x64xf32, #tpu.memory_space<vmem>>) dst(%dma_wait3A_92 : memref<80x64xf32, #tpu.memory_space<vmem_shared>>)
      tpu.yield
    }) : () -> ()
    %mul3A_29 = arith.constant 640 : i32
    %mul3A_30 = arith.muli %arg1, %mul3A_29 : i32
    %add3A_31 = arith.constant 320 : i32
    %add3A_32 = arith.addi %mul3A_30, %add3A_31 : i32
    "tpu.region"() ({
      %run_scoped3A_86 = tpu.sem_alloc : memref<!tpu.dma_semaphore, #tpu.memory_space<semaphore_mem>>
      %dma_start3A = arith.constant 0 : i32
      %dma_start3A_87 = tpu.memref_slice %arg21[%add3A_32, %dma_start3A] : memref<10240x64xf32, #tpu.memory_space<vmem_shared>> -> memref<80x64xf32, #tpu.memory_space<vmem_shared>>
      %dma_start3A_88 = arith.constant 0 : i32
      %dma_start3A_89 = tpu.memref_slice %arg21[%add3A_32, %dma_start3A_88] : memref<10240x64xf32, #tpu.memory_space<vmem_shared>> -> memref<80x64xf32, #tpu.memory_space<vmem_shared>>
      tpu.enqueue_dma source(%arg12 : memref<80x64xf32, #tpu.memory_space<vmem>>) target(%dma_start3A_89 : memref<80x64xf32, #tpu.memory_space<vmem_shared>>) target_semaphore(%run_scoped3A_86 : memref<!tpu.dma_semaphore, #tpu.memory_space<semaphore_mem>>)
      %dma_wait3A = arith.constant 0 : i32
      %dma_wait3A_90 = tpu.memref_slice %arg21[%add3A_32, %dma_wait3A] : memref<10240x64xf32, #tpu.memory_space<vmem_shared>> -> memref<80x64xf32, #tpu.memory_space<vmem_shared>>
      %dma_wait3A_91 = arith.constant 0 : i32
      %dma_wait3A_92 = tpu.memref_slice %arg21[%add3A_32, %dma_wait3A_91] : memref<10240x64xf32, #tpu.memory_space<vmem_shared>> -> memref<80x64xf32, #tpu.memory_space<vmem_shared>>
      tpu.wait_dma2 semaphore(%run_scoped3A_86 : memref<!tpu.dma_semaphore, #tpu.memory_space<semaphore_mem>>) src(%arg12 : memref<80x64xf32, #tpu.memory_space<vmem>>) dst(%dma_wait3A_92 : memref<80x64xf32, #tpu.memory_space<vmem_shared>>)
      tpu.yield
    }) : () -> ()
    %mul3A_33 = arith.constant 640 : i32
    %mul3A_34 = arith.muli %arg1, %mul3A_33 : i32
    %add3A_35 = arith.constant 400 : i32
    %add3A_36 = arith.addi %mul3A_34, %add3A_35 : i32
    "tpu.region"() ({
      %run_scoped3A_86 = tpu.sem_alloc : memref<!tpu.dma_semaphore, #tpu.memory_space<semaphore_mem>>
      %dma_start3A = arith.constant 0 : i32
      %dma_start3A_87 = tpu.memref_slice %arg21[%add3A_36, %dma_start3A] : memref<10240x64xf32, #tpu.memory_space<vmem_shared>> -> memref<80x64xf32, #tpu.memory_space<vmem_shared>>
      %dma_start3A_88 = arith.constant 0 : i32
      %dma_start3A_89 = tpu.memref_slice %arg21[%add3A_36, %dma_start3A_88] : memref<10240x64xf32, #tpu.memory_space<vmem_shared>> -> memref<80x64xf32, #tpu.memory_space<vmem_shared>>
      tpu.enqueue_dma source(%arg12 : memref<80x64xf32, #tpu.memory_space<vmem>>) target(%dma_start3A_89 : memref<80x64xf32, #tpu.memory_space<vmem_shared>>) target_semaphore(%run_scoped3A_86 : memref<!tpu.dma_semaphore, #tpu.memory_space<semaphore_mem>>)
      %dma_wait3A = arith.constant 0 : i32
      %dma_wait3A_90 = tpu.memref_slice %arg21[%add3A_36, %dma_wait3A] : memref<10240x64xf32, #tpu.memory_space<vmem_shared>> -> memref<80x64xf32, #tpu.memory_space<vmem_shared>>
      %dma_wait3A_91 = arith.constant 0 : i32
      %dma_wait3A_92 = tpu.memref_slice %arg21[%add3A_36, %dma_wait3A_91] : memref<10240x64xf32, #tpu.memory_space<vmem_shared>> -> memref<80x64xf32, #tpu.memory_space<vmem_shared>>
      tpu.wait_dma2 semaphore(%run_scoped3A_86 : memref<!tpu.dma_semaphore, #tpu.memory_space<semaphore_mem>>) src(%arg12 : memref<80x64xf32, #tpu.memory_space<vmem>>) dst(%dma_wait3A_92 : memref<80x64xf32, #tpu.memory_space<vmem_shared>>)
      tpu.yield
    }) : () -> ()
    %mul3A_37 = arith.constant 640 : i32
    %mul3A_38 = arith.muli %arg1, %mul3A_37 : i32
    %add3A_39 = arith.constant 480 : i32
    %add3A_40 = arith.addi %mul3A_38, %add3A_39 : i32
    "tpu.region"() ({
      %run_scoped3A_86 = tpu.sem_alloc : memref<!tpu.dma_semaphore, #tpu.memory_space<semaphore_mem>>
      %dma_start3A = arith.constant 0 : i32
      %dma_start3A_87 = tpu.memref_slice %arg21[%add3A_40, %dma_start3A] : memref<10240x64xf32, #tpu.memory_space<vmem_shared>> -> memref<80x64xf32, #tpu.memory_space<vmem_shared>>
      %dma_start3A_88 = arith.constant 0 : i32
      %dma_start3A_89 = tpu.memref_slice %arg21[%add3A_40, %dma_start3A_88] : memref<10240x64xf32, #tpu.memory_space<vmem_shared>> -> memref<80x64xf32, #tpu.memory_space<vmem_shared>>
      tpu.enqueue_dma source(%arg12 : memref<80x64xf32, #tpu.memory_space<vmem>>) target(%dma_start3A_89 : memref<80x64xf32, #tpu.memory_space<vmem_shared>>) target_semaphore(%run_scoped3A_86 : memref<!tpu.dma_semaphore, #tpu.memory_space<semaphore_mem>>)
      %dma_wait3A = arith.constant 0 : i32
      %dma_wait3A_90 = tpu.memref_slice %arg21[%add3A_40, %dma_wait3A] : memref<10240x64xf32, #tpu.memory_space<vmem_shared>> -> memref<80x64xf32, #tpu.memory_space<vmem_shared>>
      %dma_wait3A_91 = arith.constant 0 : i32
      %dma_wait3A_92 = tpu.memref_slice %arg21[%add3A_40, %dma_wait3A_91] : memref<10240x64xf32, #tpu.memory_space<vmem_shared>> -> memref<80x64xf32, #tpu.memory_space<vmem_shared>>
      tpu.wait_dma2 semaphore(%run_scoped3A_86 : memref<!tpu.dma_semaphore, #tpu.memory_space<semaphore_mem>>) src(%arg12 : memref<80x64xf32, #tpu.memory_space<vmem>>) dst(%dma_wait3A_92 : memref<80x64xf32, #tpu.memory_space<vmem_shared>>)
      tpu.yield
    }) : () -> ()
    %mul3A_41 = arith.constant 640 : i32
    %mul3A_42 = arith.muli %arg1, %mul3A_41 : i32
    %add3A_43 = arith.constant 560 : i32
    %add3A_44 = arith.addi %mul3A_42, %add3A_43 : i32
    "tpu.region"() ({
      %run_scoped3A_86 = tpu.sem_alloc : memref<!tpu.dma_semaphore, #tpu.memory_space<semaphore_mem>>
      %dma_start3A = arith.constant 0 : i32
      %dma_start3A_87 = tpu.memref_slice %arg21[%add3A_44, %dma_start3A] : memref<10240x64xf32, #tpu.memory_space<vmem_shared>> -> memref<80x64xf32, #tpu.memory_space<vmem_shared>>
      %dma_start3A_88 = arith.constant 0 : i32
      %dma_start3A_89 = tpu.memref_slice %arg21[%add3A_44, %dma_start3A_88] : memref<10240x64xf32, #tpu.memory_space<vmem_shared>> -> memref<80x64xf32, #tpu.memory_space<vmem_shared>>
      tpu.enqueue_dma source(%arg12 : memref<80x64xf32, #tpu.memory_space<vmem>>) target(%dma_start3A_89 : memref<80x64xf32, #tpu.memory_space<vmem_shared>>) target_semaphore(%run_scoped3A_86 : memref<!tpu.dma_semaphore, #tpu.memory_space<semaphore_mem>>)
      %dma_wait3A = arith.constant 0 : i32
      %dma_wait3A_90 = tpu.memref_slice %arg21[%add3A_44, %dma_wait3A] : memref<10240x64xf32, #tpu.memory_space<vmem_shared>> -> memref<80x64xf32, #tpu.memory_space<vmem_shared>>
      %dma_wait3A_91 = arith.constant 0 : i32
      %dma_wait3A_92 = tpu.memref_slice %arg21[%add3A_44, %dma_wait3A_91] : memref<10240x64xf32, #tpu.memory_space<vmem_shared>> -> memref<80x64xf32, #tpu.memory_space<vmem_shared>>
      tpu.wait_dma2 semaphore(%run_scoped3A_86 : memref<!tpu.dma_semaphore, #tpu.memory_space<semaphore_mem>>) src(%arg12 : memref<80x64xf32, #tpu.memory_space<vmem>>) dst(%dma_wait3A_92 : memref<80x64xf32, #tpu.memory_space<vmem_shared>>)
      tpu.yield
    }) : () -> ()
    %mul3A_45 = arith.constant 40 : i32
    %mul3A_46 = arith.muli %arg1, %mul3A_45 : i32
    "tpu.region"() ({
      %run_scoped3A_86 = tpu.sem_alloc : memref<!tpu.dma_semaphore, #tpu.memory_space<semaphore_mem>>
      %dma_start3A = arith.constant 0 : i32
      %dma_start3A_87 = tpu.memref_slice %arg19[%mul3A_46, %dma_start3A] : memref<640x16xf32, #tpu.memory_space<vmem_shared>> -> memref<40x16xf32, #tpu.memory_space<vmem_shared>>
      %dma_start3A_88 = arith.constant 0 : i32
      %dma_start3A_89 = tpu.memref_slice %arg19[%mul3A_46, %dma_start3A_88] : memref<640x16xf32, #tpu.memory_space<vmem_shared>> -> memref<40x16xf32, #tpu.memory_space<vmem_shared>>
      tpu.enqueue_dma source(%arg11 : memref<40x16xf32, #tpu.memory_space<vmem>>) target(%dma_start3A_89 : memref<40x16xf32, #tpu.memory_space<vmem_shared>>) target_semaphore(%run_scoped3A_86 : memref<!tpu.dma_semaphore, #tpu.memory_space<semaphore_mem>>)
      %dma_wait3A = arith.constant 0 : i32
      %dma_wait3A_90 = tpu.memref_slice %arg19[%mul3A_46, %dma_wait3A] : memref<640x16xf32, #tpu.memory_space<vmem_shared>> -> memref<40x16xf32, #tpu.memory_space<vmem_shared>>
      %dma_wait3A_91 = arith.constant 0 : i32
      %dma_wait3A_92 = tpu.memref_slice %arg19[%mul3A_46, %dma_wait3A_91] : memref<640x16xf32, #tpu.memory_space<vmem_shared>> -> memref<40x16xf32, #tpu.memory_space<vmem_shared>>
      tpu.wait_dma2 semaphore(%run_scoped3A_86 : memref<!tpu.dma_semaphore, #tpu.memory_space<semaphore_mem>>) src(%arg11 : memref<40x16xf32, #tpu.memory_space<vmem>>) dst(%dma_wait3A_92 : memref<40x16xf32, #tpu.memory_space<vmem_shared>>)
      tpu.yield
    }) : () -> ()
    %barrier3A = arith.constant 0 : index
    tpu.barrier barrier_id(%barrier3A)
    %mul3A_47 = arith.constant 20000 : i32
    %mul3A_48 = arith.muli %arg1, %mul3A_47 : i32
    %scan3A_49 = arith.constant 0 : i32
    %scan3A_50 = arith.constant 50 : i32
    %scan3A_51 = arith.addi %scan3A_49, %scan3A_50 : i32
    %scan3A_52 = arith.constant 1 : i32
    scf.for %scan3A_86 = %scan3A_49 to %scan3A_51 step %scan3A_52  : i32 {
      %mul3A_87 = arith.constant 1 : i32
      %mul3A_88 = arith.muli %scan3A_86, %mul3A_87 : i32
      %add3A_89 = arith.constant 0 : i32
      %add3A_90 = arith.addi %add3A_89, %mul3A_88 : i32
      %mul3A_91 = arith.constant 400 : i32
      %mul3A_92 = arith.muli %add3A_90, %mul3A_91 : i32
      %add3A_93 = arith.addi %mul3A_48, %mul3A_92 : i32
      "tpu.region"() ({
        %run_scoped3A_99 = tpu.sem_alloc : memref<!tpu.dma_semaphore, #tpu.memory_space<semaphore_mem>>
        %dma_start3A = tpu.memref_slice %arg3[%add3A_93] : memref<320000xi32, #tpu.memory_space<hbm>> -> memref<400xi32, #tpu.memory_space<hbm>>
        %dma_start3A_100 = tpu.memref_slice %arg3[%add3A_93] : memref<320000xi32, #tpu.memory_space<hbm>> -> memref<400xi32, #tpu.memory_space<hbm>>
        tpu.enqueue_dma source(%dma_start3A_100 : memref<400xi32, #tpu.memory_space<hbm>>) target(%arg17 : memref<400xi32, #tpu.memory_space<vmem>>) target_semaphore(%run_scoped3A_99 : memref<!tpu.dma_semaphore, #tpu.memory_space<semaphore_mem>>)
        %dma_wait3A = tpu.memref_slice %arg3[%add3A_93] : memref<320000xi32, #tpu.memory_space<hbm>> -> memref<400xi32, #tpu.memory_space<hbm>>
        %dma_wait3A_101 = tpu.memref_slice %arg3[%add3A_93] : memref<320000xi32, #tpu.memory_space<hbm>> -> memref<400xi32, #tpu.memory_space<hbm>>
        tpu.wait_dma2 semaphore(%run_scoped3A_99 : memref<!tpu.dma_semaphore, #tpu.memory_space<semaphore_mem>>) src(%dma_wait3A_101 : memref<400xi32, #tpu.memory_space<hbm>>) dst(%arg17 : memref<400xi32, #tpu.memory_space<vmem>>)
        tpu.yield
      }) : () -> ()
      "tpu.region"() ({
        %run_scoped3A_99 = tpu.sem_alloc : memref<!tpu.dma_semaphore, #tpu.memory_space<semaphore_mem>>
        %dma_start3A = tpu.memref_slice %arg4[%add3A_93] : memref<320000xf32, #tpu.memory_space<hbm>> -> memref<400xf32, #tpu.memory_space<hbm>>
        %dma_start3A_100 = tpu.memref_slice %arg4[%add3A_93] : memref<320000xf32, #tpu.memory_space<hbm>> -> memref<400xf32, #tpu.memory_space<hbm>>
        tpu.enqueue_dma source(%dma_start3A_100 : memref<400xf32, #tpu.memory_space<hbm>>) target(%arg18 : memref<400xf32, #tpu.memory_space<vmem>>) target_semaphore(%run_scoped3A_99 : memref<!tpu.dma_semaphore, #tpu.memory_space<semaphore_mem>>)
        %dma_wait3A = tpu.memref_slice %arg4[%add3A_93] : memref<320000xf32, #tpu.memory_space<hbm>> -> memref<400xf32, #tpu.memory_space<hbm>>
        %dma_wait3A_101 = tpu.memref_slice %arg4[%add3A_93] : memref<320000xf32, #tpu.memory_space<hbm>> -> memref<400xf32, #tpu.memory_space<hbm>>
        tpu.wait_dma2 semaphore(%run_scoped3A_99 : memref<!tpu.dma_semaphore, #tpu.memory_space<semaphore_mem>>) src(%dma_wait3A_101 : memref<400xf32, #tpu.memory_space<hbm>>) dst(%arg18 : memref<400xf32, #tpu.memory_space<vmem>>)
        tpu.yield
      }) : () -> ()
      %scan3A_94 = arith.constant 0 : i32
      %scan3A_95 = arith.constant 25 : i32
      %scan3A_96 = arith.addi %scan3A_94, %scan3A_95 : i32
      %scan3A_97 = arith.constant 1 : i32
      scf.for %scan3A_99 = %scan3A_94 to %scan3A_96 step %scan3A_97  : i32 {
        %mul3A_100 = arith.constant 1 : i32
        %mul3A_101 = arith.muli %scan3A_99, %mul3A_100 : i32
        %add3A_102 = arith.constant 0 : i32
        %add3A_103 = arith.addi %add3A_102, %mul3A_101 : i32
        %mul3A_104 = arith.constant 16 : i32
        %mul3A_105 = arith.muli %add3A_103, %mul3A_104 : i32
        %get3A = arith.index_cast %mul3A_105 : i32 to index
        %get3A_106 = tpu.vector_load %arg17[%get3A] {strides = array<i32>} : memref<400xi32, #tpu.memory_space<vmem>>, vector<16xi32>,
        %mul3A_107 = arith.constant 16 : i32
        %mul3A_108 = arith.muli %add3A_103, %mul3A_107 : i32
        %get3A_109 = arith.index_cast %mul3A_108 : i32 to index
        %get3A_110 = tpu.vector_load %arg18[%get3A_109] {strides = array<i32>} : memref<400xf32, #tpu.memory_space<vmem>>, vector<16xf32>,
        %shift_right_arithmetic3A = arith.constant 4 : i32
        %shift_right_arithmetic3A_111 = vector.broadcast %shift_right_arithmetic3A : i32 to vector<16xi32>
        %shift_right_arithmetic3A_112 = arith.shrsi %get3A_106, %shift_right_arithmetic3A_111 : vector<16xi32>
        %and3A_113 = arith.constant 15 : i32
        %and3A_114 = vector.broadcast %and3A_113 : i32 to vector<16xi32>
        %and3A_115 = arith.andi %get3A_106, %and3A_114 : vector<16xi32>
        tpu.vector_store_idx %arg9[%shift_right_arithmetic3A_112, %and3A_115], %get3A_110 {add = true} : memref<640x16xf32, #tpu.memory_space<vmem>>[vector<16xi32>, vector<16xi32>], vector<16xf32>,
      }
      %scan3A_98 = arith.constant 25 : i32
    }
    %scan3A_53 = arith.constant 50 : i32
    %run_scoped3A = arith.constant 0 : i32
    "tpu.region"() ({
      %run_scoped3A_86 = tpu.sem_alloc : memref<!tpu.dma_semaphore, #tpu.memory_space<semaphore_mem>>
      %dma_start3A = arith.constant 0 : i32
      %dma_start3A_87 = arith.constant 0 : i32
      %dma_start3A_88 = tpu.memref_slice %arg9[%dma_start3A, %dma_start3A_87] : memref<640x16xf32, #tpu.memory_space<vmem>> -> memref<128x16xf32, #tpu.memory_space<vmem>>
      %dma_start3A_89 = arith.constant 0 : i32
      %dma_start3A_90 = tpu.memref_slice %arg13[%run_scoped3A, %dma_start3A_89] : memref<5x128xi32, #tpu.memory_space<vmem>> -> memref<1x128xi32, #tpu.memory_space<vmem>>
      %dma_start3A_91 = tpu.memref_squeeze %dma_start3A_90 : memref<1x128xi32, #tpu.memory_space<vmem>> -> memref<128xi32, #tpu.memory_space<vmem>>
      %dma_start3A_92 = arith.constant 0 : i32
      %dma_start3A_93 = arith.constant 0 : i32
      %dma_start3A_94 = tpu.memref_slice %arg19[%dma_start3A_92, %dma_start3A_93] : memref<640x16xf32, #tpu.memory_space<vmem_shared>> -> memref<640x16xf32, #tpu.memory_space<vmem_shared>>
      tpu.enqueue_indirect_dma source(%dma_start3A_88 : memref<128x16xf32, #tpu.memory_space<vmem>>) target(%dma_start3A_94 : memref<640x16xf32, #tpu.memory_space<vmem_shared>>) offsets(%dma_start3A_91 : memref<128xi32, #tpu.memory_space<vmem>>) semaphore(%run_scoped3A_86 : memref<!tpu.dma_semaphore, #tpu.memory_space<semaphore_mem>>) {add = true}
      %dma_wait3A = arith.constant 0 : i32
      %dma_wait3A_95 = arith.constant 0 : i32
      %dma_wait3A_96 = tpu.memref_slice %arg9[%dma_wait3A, %dma_wait3A_95] : memref<640x16xf32, #tpu.memory_space<vmem>> -> memref<128x16xf32, #tpu.memory_space<vmem>>
      %dma_wait3A_97 = arith.constant 0 : i32
      %dma_wait3A_98 = tpu.memref_slice %arg13[%run_scoped3A, %dma_wait3A_97] : memref<5x128xi32, #tpu.memory_space<vmem>> -> memref<1x128xi32, #tpu.memory_space<vmem>>
      %dma_wait3A_99 = tpu.memref_squeeze %dma_wait3A_98 : memref<1x128xi32, #tpu.memory_space<vmem>> -> memref<128xi32, #tpu.memory_space<vmem>>
      %dma_wait3A_100 = arith.constant 0 : i32
      %dma_wait3A_101 = arith.constant 0 : i32
      %dma_wait3A_102 = tpu.memref_slice %arg19[%dma_wait3A_100, %dma_wait3A_101] : memref<640x16xf32, #tpu.memory_space<vmem_shared>> -> memref<640x16xf32, #tpu.memory_space<vmem_shared>>
      tpu.wait_indirect_dma semaphore(%run_scoped3A_86 : memref<!tpu.dma_semaphore, #tpu.memory_space<semaphore_mem>>) src(%dma_wait3A_96 : memref<128x16xf32, #tpu.memory_space<vmem>>) dst(%dma_wait3A_102 : memref<640x16xf32, #tpu.memory_space<vmem_shared>>)
      tpu.yield
    }) : () -> ()
    %run_scoped3A_54 = arith.constant 1 : i32
    "tpu.region"() ({
      %run_scoped3A_86 = tpu.sem_alloc : memref<!tpu.dma_semaphore, #tpu.memory_space<semaphore_mem>>
      %dma_start3A = arith.constant 128 : i32
      %dma_start3A_87 = arith.constant 0 : i32
      %dma_start3A_88 = tpu.memref_slice %arg9[%dma_start3A, %dma_start3A_87] : memref<640x16xf32, #tpu.memory_space<vmem>> -> memref<128x16xf32, #tpu.memory_space<vmem>>
      %dma_start3A_89 = arith.constant 0 : i32
      %dma_start3A_90 = tpu.memref_slice %arg13[%run_scoped3A_54, %dma_start3A_89] : memref<5x128xi32, #tpu.memory_space<vmem>> -> memref<1x128xi32, #tpu.memory_space<vmem>>
      %dma_start3A_91 = tpu.memref_squeeze %dma_start3A_90 : memref<1x128xi32, #tpu.memory_space<vmem>> -> memref<128xi32, #tpu.memory_space<vmem>>
      %dma_start3A_92 = arith.constant 0 : i32
      %dma_start3A_93 = arith.constant 0 : i32
      %dma_start3A_94 = tpu.memref_slice %arg19[%dma_start3A_92, %dma_start3A_93] : memref<640x16xf32, #tpu.memory_space<vmem_shared>> -> memref<640x16xf32, #tpu.memory_space<vmem_shared>>
      tpu.enqueue_indirect_dma source(%dma_start3A_88 : memref<128x16xf32, #tpu.memory_space<vmem>>) target(%dma_start3A_94 : memref<640x16xf32, #tpu.memory_space<vmem_shared>>) offsets(%dma_start3A_91 : memref<128xi32, #tpu.memory_space<vmem>>) semaphore(%run_scoped3A_86 : memref<!tpu.dma_semaphore, #tpu.memory_space<semaphore_mem>>) {add = true}
      %dma_wait3A = arith.constant 128 : i32
      %dma_wait3A_95 = arith.constant 0 : i32
      %dma_wait3A_96 = tpu.memref_slice %arg9[%dma_wait3A, %dma_wait3A_95] : memref<640x16xf32, #tpu.memory_space<vmem>> -> memref<128x16xf32, #tpu.memory_space<vmem>>
      %dma_wait3A_97 = arith.constant 0 : i32
      %dma_wait3A_98 = tpu.memref_slice %arg13[%run_scoped3A_54, %dma_wait3A_97] : memref<5x128xi32, #tpu.memory_space<vmem>> -> memref<1x128xi32, #tpu.memory_space<vmem>>
      %dma_wait3A_99 = tpu.memref_squeeze %dma_wait3A_98 : memref<1x128xi32, #tpu.memory_space<vmem>> -> memref<128xi32, #tpu.memory_space<vmem>>
      %dma_wait3A_100 = arith.constant 0 : i32
      %dma_wait3A_101 = arith.constant 0 : i32
      %dma_wait3A_102 = tpu.memref_slice %arg19[%dma_wait3A_100, %dma_wait3A_101] : memref<640x16xf32, #tpu.memory_space<vmem_shared>> -> memref<640x16xf32, #tpu.memory_space<vmem_shared>>
      tpu.wait_indirect_dma semaphore(%run_scoped3A_86 : memref<!tpu.dma_semaphore, #tpu.memory_space<semaphore_mem>>) src(%dma_wait3A_96 : memref<128x16xf32, #tpu.memory_space<vmem>>) dst(%dma_wait3A_102 : memref<640x16xf32, #tpu.memory_space<vmem_shared>>)
      tpu.yield
    }) : () -> ()
    %run_scoped3A_55 = arith.constant 2 : i32
    "tpu.region"() ({
      %run_scoped3A_86 = tpu.sem_alloc : memref<!tpu.dma_semaphore, #tpu.memory_space<semaphore_mem>>
      %dma_start3A = arith.constant 256 : i32
      %dma_start3A_87 = arith.constant 0 : i32
      %dma_start3A_88 = tpu.memref_slice %arg9[%dma_start3A, %dma_start3A_87] : memref<640x16xf32, #tpu.memory_space<vmem>> -> memref<128x16xf32, #tpu.memory_space<vmem>>
      %dma_start3A_89 = arith.constant 0 : i32
      %dma_start3A_90 = tpu.memref_slice %arg13[%run_scoped3A_55, %dma_start3A_89] : memref<5x128xi32, #tpu.memory_space<vmem>> -> memref<1x128xi32, #tpu.memory_space<vmem>>
      %dma_start3A_91 = tpu.memref_squeeze %dma_start3A_90 : memref<1x128xi32, #tpu.memory_space<vmem>> -> memref<128xi32, #tpu.memory_space<vmem>>
      %dma_start3A_92 = arith.constant 0 : i32
      %dma_start3A_93 = arith.constant 0 : i32
      %dma_start3A_94 = tpu.memref_slice %arg19[%dma_start3A_92, %dma_start3A_93] : memref<640x16xf32, #tpu.memory_space<vmem_shared>> -> memref<640x16xf32, #tpu.memory_space<vmem_shared>>
      tpu.enqueue_indirect_dma source(%dma_start3A_88 : memref<128x16xf32, #tpu.memory_space<vmem>>) target(%dma_start3A_94 : memref<640x16xf32, #tpu.memory_space<vmem_shared>>) offsets(%dma_start3A_91 : memref<128xi32, #tpu.memory_space<vmem>>) semaphore(%run_scoped3A_86 : memref<!tpu.dma_semaphore, #tpu.memory_space<semaphore_mem>>) {add = true}
      %dma_wait3A = arith.constant 256 : i32
      %dma_wait3A_95 = arith.constant 0 : i32
      %dma_wait3A_96 = tpu.memref_slice %arg9[%dma_wait3A, %dma_wait3A_95] : memref<640x16xf32, #tpu.memory_space<vmem>> -> memref<128x16xf32, #tpu.memory_space<vmem>>
      %dma_wait3A_97 = arith.constant 0 : i32
      %dma_wait3A_98 = tpu.memref_slice %arg13[%run_scoped3A_55, %dma_wait3A_97] : memref<5x128xi32, #tpu.memory_space<vmem>> -> memref<1x128xi32, #tpu.memory_space<vmem>>
      %dma_wait3A_99 = tpu.memref_squeeze %dma_wait3A_98 : memref<1x128xi32, #tpu.memory_space<vmem>> -> memref<128xi32, #tpu.memory_space<vmem>>
      %dma_wait3A_100 = arith.constant 0 : i32
      %dma_wait3A_101 = arith.constant 0 : i32
      %dma_wait3A_102 = tpu.memref_slice %arg19[%dma_wait3A_100, %dma_wait3A_101] : memref<640x16xf32, #tpu.memory_space<vmem_shared>> -> memref<640x16xf32, #tpu.memory_space<vmem_shared>>
      tpu.wait_indirect_dma semaphore(%run_scoped3A_86 : memref<!tpu.dma_semaphore, #tpu.memory_space<semaphore_mem>>) src(%dma_wait3A_96 : memref<128x16xf32, #tpu.memory_space<vmem>>) dst(%dma_wait3A_102 : memref<640x16xf32, #tpu.memory_space<vmem_shared>>)
      tpu.yield
    }) : () -> ()
    %run_scoped3A_56 = arith.constant 3 : i32
    "tpu.region"() ({
      %run_scoped3A_86 = tpu.sem_alloc : memref<!tpu.dma_semaphore, #tpu.memory_space<semaphore_mem>>
      %dma_start3A = arith.constant 384 : i32
      %dma_start3A_87 = arith.constant 0 : i32
      %dma_start3A_88 = tpu.memref_slice %arg9[%dma_start3A, %dma_start3A_87] : memref<640x16xf32, #tpu.memory_space<vmem>> -> memref<128x16xf32, #tpu.memory_space<vmem>>
      %dma_start3A_89 = arith.constant 0 : i32
      %dma_start3A_90 = tpu.memref_slice %arg13[%run_scoped3A_56, %dma_start3A_89] : memref<5x128xi32, #tpu.memory_space<vmem>> -> memref<1x128xi32, #tpu.memory_space<vmem>>
      %dma_start3A_91 = tpu.memref_squeeze %dma_start3A_90 : memref<1x128xi32, #tpu.memory_space<vmem>> -> memref<128xi32, #tpu.memory_space<vmem>>
      %dma_start3A_92 = arith.constant 0 : i32
      %dma_start3A_93 = arith.constant 0 : i32
      %dma_start3A_94 = tpu.memref_slice %arg19[%dma_start3A_92, %dma_start3A_93] : memref<640x16xf32, #tpu.memory_space<vmem_shared>> -> memref<640x16xf32, #tpu.memory_space<vmem_shared>>
      tpu.enqueue_indirect_dma source(%dma_start3A_88 : memref<128x16xf32, #tpu.memory_space<vmem>>) target(%dma_start3A_94 : memref<640x16xf32, #tpu.memory_space<vmem_shared>>) offsets(%dma_start3A_91 : memref<128xi32, #tpu.memory_space<vmem>>) semaphore(%run_scoped3A_86 : memref<!tpu.dma_semaphore, #tpu.memory_space<semaphore_mem>>) {add = true}
      %dma_wait3A = arith.constant 384 : i32
      %dma_wait3A_95 = arith.constant 0 : i32
      %dma_wait3A_96 = tpu.memref_slice %arg9[%dma_wait3A, %dma_wait3A_95] : memref<640x16xf32, #tpu.memory_space<vmem>> -> memref<128x16xf32, #tpu.memory_space<vmem>>
      %dma_wait3A_97 = arith.constant 0 : i32
      %dma_wait3A_98 = tpu.memref_slice %arg13[%run_scoped3A_56, %dma_wait3A_97] : memref<5x128xi32, #tpu.memory_space<vmem>> -> memref<1x128xi32, #tpu.memory_space<vmem>>
      %dma_wait3A_99 = tpu.memref_squeeze %dma_wait3A_98 : memref<1x128xi32, #tpu.memory_space<vmem>> -> memref<128xi32, #tpu.memory_space<vmem>>
      %dma_wait3A_100 = arith.constant 0 : i32
      %dma_wait3A_101 = arith.constant 0 : i32
      %dma_wait3A_102 = tpu.memref_slice %arg19[%dma_wait3A_100, %dma_wait3A_101] : memref<640x16xf32, #tpu.memory_space<vmem_shared>> -> memref<640x16xf32, #tpu.memory_space<vmem_shared>>
      tpu.wait_indirect_dma semaphore(%run_scoped3A_86 : memref<!tpu.dma_semaphore, #tpu.memory_space<semaphore_mem>>) src(%dma_wait3A_96 : memref<128x16xf32, #tpu.memory_space<vmem>>) dst(%dma_wait3A_102 : memref<640x16xf32, #tpu.memory_space<vmem_shared>>)
      tpu.yield
    }) : () -> ()
    %run_scoped3A_57 = arith.constant 4 : i32
    "tpu.region"() ({
      %run_scoped3A_86 = tpu.sem_alloc : memref<!tpu.dma_semaphore, #tpu.memory_space<semaphore_mem>>
      %dma_start3A = arith.constant 512 : i32
      %dma_start3A_87 = arith.constant 0 : i32
      %dma_start3A_88 = tpu.memref_slice %arg9[%dma_start3A, %dma_start3A_87] : memref<640x16xf32, #tpu.memory_space<vmem>> -> memref<128x16xf32, #tpu.memory_space<vmem>>
      %dma_start3A_89 = arith.constant 0 : i32
      %dma_start3A_90 = tpu.memref_slice %arg13[%run_scoped3A_57, %dma_start3A_89] : memref<5x128xi32, #tpu.memory_space<vmem>> -> memref<1x128xi32, #tpu.memory_space<vmem>>
      %dma_start3A_91 = tpu.memref_squeeze %dma_start3A_90 : memref<1x128xi32, #tpu.memory_space<vmem>> -> memref<128xi32, #tpu.memory_space<vmem>>
      %dma_start3A_92 = arith.constant 0 : i32
      %dma_start3A_93 = arith.constant 0 : i32
      %dma_start3A_94 = tpu.memref_slice %arg19[%dma_start3A_92, %dma_start3A_93] : memref<640x16xf32, #tpu.memory_space<vmem_shared>> -> memref<640x16xf32, #tpu.memory_space<vmem_shared>>
      tpu.enqueue_indirect_dma source(%dma_start3A_88 : memref<128x16xf32, #tpu.memory_space<vmem>>) target(%dma_start3A_94 : memref<640x16xf32, #tpu.memory_space<vmem_shared>>) offsets(%dma_start3A_91 : memref<128xi32, #tpu.memory_space<vmem>>) semaphore(%run_scoped3A_86 : memref<!tpu.dma_semaphore, #tpu.memory_space<semaphore_mem>>) {add = true}
      %dma_wait3A = arith.constant 512 : i32
      %dma_wait3A_95 = arith.constant 0 : i32
      %dma_wait3A_96 = tpu.memref_slice %arg9[%dma_wait3A, %dma_wait3A_95] : memref<640x16xf32, #tpu.memory_space<vmem>> -> memref<128x16xf32, #tpu.memory_space<vmem>>
      %dma_wait3A_97 = arith.constant 0 : i32
      %dma_wait3A_98 = tpu.memref_slice %arg13[%run_scoped3A_57, %dma_wait3A_97] : memref<5x128xi32, #tpu.memory_space<vmem>> -> memref<1x128xi32, #tpu.memory_space<vmem>>
      %dma_wait3A_99 = tpu.memref_squeeze %dma_wait3A_98 : memref<1x128xi32, #tpu.memory_space<vmem>> -> memref<128xi32, #tpu.memory_space<vmem>>
      %dma_wait3A_100 = arith.constant 0 : i32
      %dma_wait3A_101 = arith.constant 0 : i32
      %dma_wait3A_102 = tpu.memref_slice %arg19[%dma_wait3A_100, %dma_wait3A_101] : memref<640x16xf32, #tpu.memory_space<vmem_shared>> -> memref<640x16xf32, #tpu.memory_space<vmem_shared>>
      tpu.wait_indirect_dma semaphore(%run_scoped3A_86 : memref<!tpu.dma_semaphore, #tpu.memory_space<semaphore_mem>>) src(%dma_wait3A_96 : memref<128x16xf32, #tpu.memory_space<vmem>>) dst(%dma_wait3A_102 : memref<640x16xf32, #tpu.memory_space<vmem_shared>>)
      tpu.yield
    }) : () -> ()
    %barrier3A_58 = arith.constant 0 : index
    tpu.barrier barrier_id(%barrier3A_58)
    %mul3A_59 = arith.constant 40 : i32
    %mul3A_60 = arith.muli %arg1, %mul3A_59 : i32
    "tpu.region"() ({
      %run_scoped3A_86 = tpu.sem_alloc : memref<!tpu.dma_semaphore, #tpu.memory_space<semaphore_mem>>
      %dma_start3A = arith.constant 0 : i32
      %dma_start3A_87 = tpu.memref_slice %arg19[%mul3A_60, %dma_start3A] : memref<640x16xf32, #tpu.memory_space<vmem_shared>> -> memref<40x16xf32, #tpu.memory_space<vmem_shared>>
      %dma_start3A_88 = arith.constant 0 : i32
      %dma_start3A_89 = tpu.memref_slice %arg19[%mul3A_60, %dma_start3A_88] : memref<640x16xf32, #tpu.memory_space<vmem_shared>> -> memref<40x16xf32, #tpu.memory_space<vmem_shared>>
      tpu.enqueue_dma source(%dma_start3A_89 : memref<40x16xf32, #tpu.memory_space<vmem_shared>>) target(%arg11 : memref<40x16xf32, #tpu.memory_space<vmem>>) target_semaphore(%run_scoped3A_86 : memref<!tpu.dma_semaphore, #tpu.memory_space<semaphore_mem>>)
      %dma_wait3A = arith.constant 0 : i32
      %dma_wait3A_90 = tpu.memref_slice %arg19[%mul3A_60, %dma_wait3A] : memref<640x16xf32, #tpu.memory_space<vmem_shared>> -> memref<40x16xf32, #tpu.memory_space<vmem_shared>>
      %dma_wait3A_91 = arith.constant 0 : i32
      %dma_wait3A_92 = tpu.memref_slice %arg19[%mul3A_60, %dma_wait3A_91] : memref<640x16xf32, #tpu.memory_space<vmem_shared>> -> memref<40x16xf32, #tpu.memory_space<vmem_shared>>
      tpu.wait_dma2 semaphore(%run_scoped3A_86 : memref<!tpu.dma_semaphore, #tpu.memory_space<semaphore_mem>>) src(%dma_wait3A_92 : memref<40x16xf32, #tpu.memory_space<vmem_shared>>) dst(%arg11 : memref<40x16xf32, #tpu.memory_space<vmem>>)
      tpu.yield
    }) : () -> ()
    %scan3A_61 = arith.constant 0 : i32
    %scan3A_62 = arith.constant 40 : i32
    %scan3A_63 = arith.addi %scan3A_61, %scan3A_62 : i32
    %scan3A_64 = arith.constant 1 : i32
    scf.for %scan3A_86 = %scan3A_61 to %scan3A_63 step %scan3A_64  : i32 {
      %mul3A_87 = arith.constant 1 : i32
      %mul3A_88 = arith.muli %scan3A_86, %mul3A_87 : i32
      %add3A_89 = arith.constant 0 : i32
      %add3A_90 = arith.addi %add3A_89, %mul3A_88 : i32
      %get3A = arith.index_cast %add3A_90 : i32 to index
      %get3A_91 = arith.constant 0 : index
      %get3A_92 = tpu.vector_load %arg11[%get3A, %get3A_91] {strides = array<i32>} : memref<40x16xf32, #tpu.memory_space<vmem>>, vector<16xf32>,
      %add3A_93 = arith.constant 1.000000e+00 : f32
      %add3A_94 = vector.broadcast %add3A_93 : f32 to vector<16xf32>
      %add3A_95 = arith.addf %get3A_92, %add3A_94 : vector<16xf32>
      %bitcast_convert_type3A = tpu.bitcast %add3A_95 : vector<16xf32> -> vector<16xi32>
      %shift_right_arithmetic3A = arith.constant 1 : i32
      %shift_right_arithmetic3A_96 = vector.broadcast %shift_right_arithmetic3A : i32 to vector<16xi32>
      %shift_right_arithmetic3A_97 = arith.shrsi %bitcast_convert_type3A, %shift_right_arithmetic3A_96 : vector<16xi32>
      %sub3A = arith.constant 1597463007 : i32
      %sub3A_98 = vector.broadcast %sub3A : i32 to vector<16xi32>
      %sub3A_99 = arith.subi %sub3A_98, %shift_right_arithmetic3A_97 : vector<16xi32>
      %bitcast_convert_type3A_100 = tpu.bitcast %sub3A_99 : vector<16xi32> -> vector<16xf32>
      %mul3A_101 = arith.constant 5.000000e-01 : f32
      %mul3A_102 = vector.broadcast %mul3A_101 : f32 to vector<16xf32>
      %mul3A_103 = arith.mulf %mul3A_102, %add3A_95 : vector<16xf32>
      %mul3A_104 = arith.mulf %mul3A_103, %bitcast_convert_type3A_100 : vector<16xf32>
      %mul3A_105 = arith.mulf %mul3A_104, %bitcast_convert_type3A_100 : vector<16xf32>
      %sub3A_106 = arith.constant 1.500000e+00 : f32
      %sub3A_107 = vector.broadcast %sub3A_106 : f32 to vector<16xf32>
      %sub3A_108 = arith.subf %sub3A_107, %mul3A_105 : vector<16xf32>
      %mul3A_109 = arith.mulf %bitcast_convert_type3A_100, %sub3A_108 : vector<16xf32>
      %mul3A_110 = arith.constant 5.000000e-01 : f32
      %mul3A_111 = vector.broadcast %mul3A_110 : f32 to vector<16xf32>
      %mul3A_112 = arith.mulf %mul3A_111, %add3A_95 : vector<16xf32>
      %mul3A_113 = arith.mulf %mul3A_112, %mul3A_109 : vector<16xf32>
      %mul3A_114 = arith.mulf %mul3A_113, %mul3A_109 : vector<16xf32>
      %sub3A_115 = arith.constant 1.500000e+00 : f32
      %sub3A_116 = vector.broadcast %sub3A_115 : f32 to vector<16xf32>
      %sub3A_117 = arith.subf %sub3A_116, %mul3A_114 : vector<16xf32>
      %mul3A_118 = arith.mulf %mul3A_109, %sub3A_117 : vector<16xf32>
      %mul3A_119 = arith.constant 5.000000e-01 : f32
      %mul3A_120 = vector.broadcast %mul3A_119 : f32 to vector<16xf32>
      %mul3A_121 = arith.mulf %mul3A_120, %add3A_95 : vector<16xf32>
      %mul3A_122 = arith.mulf %mul3A_121, %mul3A_118 : vector<16xf32>
      %mul3A_123 = arith.mulf %mul3A_122, %mul3A_118 : vector<16xf32>
      %sub3A_124 = arith.constant 1.500000e+00 : f32
      %sub3A_125 = vector.broadcast %sub3A_124 : f32 to vector<16xf32>
      %sub3A_126 = arith.subf %sub3A_125, %mul3A_123 : vector<16xf32>
      %mul3A_127 = arith.mulf %mul3A_118, %sub3A_126 : vector<16xf32>
      %mul3A_128 = arith.constant 5.000000e-01 : f32
      %mul3A_129 = vector.broadcast %mul3A_128 : f32 to vector<16xf32>
      %mul3A_130 = arith.mulf %mul3A_129, %add3A_95 : vector<16xf32>
      %mul3A_131 = arith.mulf %mul3A_130, %mul3A_127 : vector<16xf32>
      %mul3A_132 = arith.mulf %mul3A_131, %mul3A_127 : vector<16xf32>
      %sub3A_133 = arith.constant 1.500000e+00 : f32
      %sub3A_134 = vector.broadcast %sub3A_133 : f32 to vector<16xf32>
      %sub3A_135 = arith.subf %sub3A_134, %mul3A_132 : vector<16xf32>
      %mul3A_136 = arith.mulf %mul3A_127, %sub3A_135 : vector<16xf32>
      %gt3A = arith.constant 0.000000e+00 : f32
      %gt3A_137 = vector.broadcast %gt3A : f32 to vector<16xf32>
      %gt3A_138 = arith.cmpf ogt, %add3A_95, %gt3A_137 : vector<16xf32>
      %jit3A = arith.constant 0.000000e+00 : f32
      %broadcast_in_dim3A_139 = vector.broadcast %jit3A : f32 to vector<16xf32>
      %select_n3A = arith.select %gt3A_138, %mul3A_136, %broadcast_in_dim3A_139 : vector<16xi1>, vector<16xf32>
      %swap3A = arith.index_cast %add3A_90 : i32 to index
      %swap3A_140 = arith.constant 0 : index
      %swap3A_141 = tpu.vector_load %arg11[%swap3A, %swap3A_140] {strides = array<i32>} : memref<40x16xf32, #tpu.memory_space<vmem>>, vector<16xf32>,
      tpu.vector_store %arg11[%swap3A, %swap3A_140], %select_n3A {strides = array<i32>} : memref<40x16xf32, #tpu.memory_space<vmem>>, vector<16xf32>,
    }
    %scan3A_65 = arith.constant 40 : i32
    "tpu.region"() ({
      %run_scoped3A_86 = tpu.sem_alloc : memref<!tpu.dma_semaphore, #tpu.memory_space<semaphore_mem>>
      %dma_start3A = arith.constant 0 : i32
      %dma_start3A_87 = tpu.memref_slice %arg20[%mul3A_60, %dma_start3A] : memref<640x16xf32, #tpu.memory_space<vmem_shared>> -> memref<40x16xf32, #tpu.memory_space<vmem_shared>>
      %dma_start3A_88 = arith.constant 0 : i32
      %dma_start3A_89 = tpu.memref_slice %arg20[%mul3A_60, %dma_start3A_88] : memref<640x16xf32, #tpu.memory_space<vmem_shared>> -> memref<40x16xf32, #tpu.memory_space<vmem_shared>>
      tpu.enqueue_dma source(%arg11 : memref<40x16xf32, #tpu.memory_space<vmem>>) target(%dma_start3A_89 : memref<40x16xf32, #tpu.memory_space<vmem_shared>>) target_semaphore(%run_scoped3A_86 : memref<!tpu.dma_semaphore, #tpu.memory_space<semaphore_mem>>)
      %dma_wait3A = arith.constant 0 : i32
      %dma_wait3A_90 = tpu.memref_slice %arg20[%mul3A_60, %dma_wait3A] : memref<640x16xf32, #tpu.memory_space<vmem_shared>> -> memref<40x16xf32, #tpu.memory_space<vmem_shared>>
      %dma_wait3A_91 = arith.constant 0 : i32
      %dma_wait3A_92 = tpu.memref_slice %arg20[%mul3A_60, %dma_wait3A_91] : memref<640x16xf32, #tpu.memory_space<vmem_shared>> -> memref<40x16xf32, #tpu.memory_space<vmem_shared>>
      tpu.wait_dma2 semaphore(%run_scoped3A_86 : memref<!tpu.dma_semaphore, #tpu.memory_space<semaphore_mem>>) src(%arg11 : memref<40x16xf32, #tpu.memory_space<vmem>>) dst(%dma_wait3A_92 : memref<40x16xf32, #tpu.memory_space<vmem_shared>>)
      tpu.yield
    }) : () -> ()
    %barrier3A_66 = arith.constant 0 : index
    tpu.barrier barrier_id(%barrier3A_66)
    "tpu.region"() ({
      %run_scoped3A_86 = tpu.sem_alloc : memref<!tpu.dma_semaphore, #tpu.memory_space<semaphore_mem>>
      tpu.enqueue_dma source(%arg20 : memref<640x16xf32, #tpu.memory_space<vmem_shared>>) target(%arg10 : memref<640x16xf32, #tpu.memory_space<vmem>>) target_semaphore(%run_scoped3A_86 : memref<!tpu.dma_semaphore, #tpu.memory_space<semaphore_mem>>)
      tpu.wait_dma2 semaphore(%run_scoped3A_86 : memref<!tpu.dma_semaphore, #tpu.memory_space<semaphore_mem>>) src(%arg20 : memref<640x16xf32, #tpu.memory_space<vmem_shared>>) dst(%arg10 : memref<640x16xf32, #tpu.memory_space<vmem>>)
      tpu.yield
    }) : () -> ()
    %eq3A = arith.constant 0 : i32
    %eq3A_67 = arith.cmpi eq, %arg0, %eq3A : i32
    %eq3A_68 = arith.constant 0 : i32
    %eq3A_69 = arith.cmpi eq, %arg1, %eq3A_68 : i32
    %and3A = arith.andi %eq3A_67, %eq3A_69 : i1
    %convert_element_type3A = arith.extui %and3A : i1 to i32
    %cond3A = arith.constant 0 : i32
    %cond3A_70 = arith.cmpi ne, %convert_element_type3A, %cond3A : i32
    scf.if %cond3A_70 {
      "tpu.region"() ({
        %run_scoped3A_86 = tpu.sem_alloc : memref<!tpu.dma_semaphore, #tpu.memory_space<semaphore_mem>>
        tpu.enqueue_dma source(%arg20 : memref<640x16xf32, #tpu.memory_space<vmem_shared>>) target(%arg8 : memref<640x16xf32, #tpu.memory_space<hbm>>) target_semaphore(%run_scoped3A_86 : memref<!tpu.dma_semaphore, #tpu.memory_space<semaphore_mem>>)
        tpu.wait_dma2 semaphore(%run_scoped3A_86 : memref<!tpu.dma_semaphore, #tpu.memory_space<semaphore_mem>>) src(%arg20 : memref<640x16xf32, #tpu.memory_space<vmem_shared>>) dst(%arg8 : memref<640x16xf32, #tpu.memory_space<hbm>>)
        tpu.yield
      }) : () -> ()
    } else {
    }
    %scan3A_71 = arith.constant 0 : i32
    %scan3A_72 = arith.constant 250 : i32
    %scan3A_73 = arith.addi %scan3A_71, %scan3A_72 : i32
    %scan3A_74 = arith.constant 1 : i32
    scf.for %scan3A_86 = %scan3A_71 to %scan3A_73 step %scan3A_74  : i32 {
      %mul3A_87 = arith.constant 1 : i32
      %mul3A_88 = arith.muli %scan3A_86, %mul3A_87 : i32
      %add3A_89 = arith.constant 0 : i32
      %add3A_90 = arith.addi %add3A_89, %mul3A_88 : i32
      %mul3A_91 = arith.constant 80 : i32
      %mul3A_92 = arith.muli %add3A_90, %mul3A_91 : i32
      %add3A_93 = arith.addi %mul3A_48, %mul3A_92 : i32
      "tpu.region"() ({
        %run_scoped3A_111 = tpu.sem_alloc : memref<!tpu.dma_semaphore, #tpu.memory_space<semaphore_mem>>
        %dma_start3A_112 = tpu.memref_slice %arg2[%add3A_93] : memref<320000xi32, #tpu.memory_space<hbm>> -> memref<80xi32, #tpu.memory_space<hbm>>
        %dma_start3A_113 = tpu.memref_slice %arg2[%add3A_93] : memref<320000xi32, #tpu.memory_space<hbm>> -> memref<80xi32, #tpu.memory_space<hbm>>
        tpu.enqueue_dma source(%dma_start3A_113 : memref<80xi32, #tpu.memory_space<hbm>>) target(%arg14 : memref<80xi32, #tpu.memory_space<vmem>>) target_semaphore(%run_scoped3A_111 : memref<!tpu.dma_semaphore, #tpu.memory_space<semaphore_mem>>)
        %dma_wait3A_114 = tpu.memref_slice %arg2[%add3A_93] : memref<320000xi32, #tpu.memory_space<hbm>> -> memref<80xi32, #tpu.memory_space<hbm>>
        %dma_wait3A_115 = tpu.memref_slice %arg2[%add3A_93] : memref<320000xi32, #tpu.memory_space<hbm>> -> memref<80xi32, #tpu.memory_space<hbm>>
        tpu.wait_dma2 semaphore(%run_scoped3A_111 : memref<!tpu.dma_semaphore, #tpu.memory_space<semaphore_mem>>) src(%dma_wait3A_115 : memref<80xi32, #tpu.memory_space<hbm>>) dst(%arg14 : memref<80xi32, #tpu.memory_space<vmem>>)
        tpu.yield
      }) : () -> ()
      "tpu.region"() ({
        %run_scoped3A_111 = tpu.sem_alloc : memref<!tpu.dma_semaphore, #tpu.memory_space<semaphore_mem>>
        %dma_start3A_112 = tpu.memref_slice %arg3[%add3A_93] : memref<320000xi32, #tpu.memory_space<hbm>> -> memref<80xi32, #tpu.memory_space<hbm>>
        %dma_start3A_113 = tpu.memref_slice %arg3[%add3A_93] : memref<320000xi32, #tpu.memory_space<hbm>> -> memref<80xi32, #tpu.memory_space<hbm>>
        tpu.enqueue_dma source(%dma_start3A_113 : memref<80xi32, #tpu.memory_space<hbm>>) target(%arg15 : memref<80xi32, #tpu.memory_space<vmem>>) target_semaphore(%run_scoped3A_111 : memref<!tpu.dma_semaphore, #tpu.memory_space<semaphore_mem>>)
        %dma_wait3A_114 = tpu.memref_slice %arg3[%add3A_93] : memref<320000xi32, #tpu.memory_space<hbm>> -> memref<80xi32, #tpu.memory_space<hbm>>
        %dma_wait3A_115 = tpu.memref_slice %arg3[%add3A_93] : memref<320000xi32, #tpu.memory_space<hbm>> -> memref<80xi32, #tpu.memory_space<hbm>>
        tpu.wait_dma2 semaphore(%run_scoped3A_111 : memref<!tpu.dma_semaphore, #tpu.memory_space<semaphore_mem>>) src(%dma_wait3A_115 : memref<80xi32, #tpu.memory_space<hbm>>) dst(%arg15 : memref<80xi32, #tpu.memory_space<vmem>>)
        tpu.yield
      }) : () -> ()
      "tpu.region"() ({
        %run_scoped3A_111 = tpu.sem_alloc : memref<!tpu.dma_semaphore, #tpu.memory_space<semaphore_mem>>
        %dma_start3A_112 = tpu.memref_slice %arg4[%add3A_93] : memref<320000xf32, #tpu.memory_space<hbm>> -> memref<80xf32, #tpu.memory_space<hbm>>
        %dma_start3A_113 = tpu.memref_slice %arg4[%add3A_93] : memref<320000xf32, #tpu.memory_space<hbm>> -> memref<80xf32, #tpu.memory_space<hbm>>
        tpu.enqueue_dma source(%dma_start3A_113 : memref<80xf32, #tpu.memory_space<hbm>>) target(%arg16 : memref<80xf32, #tpu.memory_space<vmem>>) target_semaphore(%run_scoped3A_111 : memref<!tpu.dma_semaphore, #tpu.memory_space<semaphore_mem>>)
        %dma_wait3A_114 = tpu.memref_slice %arg4[%add3A_93] : memref<320000xf32, #tpu.memory_space<hbm>> -> memref<80xf32, #tpu.memory_space<hbm>>
        %dma_wait3A_115 = tpu.memref_slice %arg4[%add3A_93] : memref<320000xf32, #tpu.memory_space<hbm>> -> memref<80xf32, #tpu.memory_space<hbm>>
        tpu.wait_dma2 semaphore(%run_scoped3A_111 : memref<!tpu.dma_semaphore, #tpu.memory_space<semaphore_mem>>) src(%dma_wait3A_115 : memref<80xf32, #tpu.memory_space<hbm>>) dst(%arg16 : memref<80xf32, #tpu.memory_space<vmem>>)
        tpu.yield
      }) : () -> ()
      %dma_start3A = arith.constant 0 : i32
      %dma_start3A_94 = arith.constant 0 : i32
      %dma_start3A_95 = tpu.memref_slice %arg5[%arg0, %dma_start3A, %dma_start3A_94] : memref<2x10000x64xf32, #tpu.memory_space<hbm>> -> memref<1x10000x64xf32, #tpu.memory_space<hbm>>
      %dma_start3A_96 = tpu.memref_squeeze %dma_start3A_95 : memref<1x10000x64xf32, #tpu.memory_space<hbm>> -> memref<10000x64xf32, #tpu.memory_space<hbm>>
      %dma_start3A_97 = arith.constant 0 : i32
      %dma_start3A_98 = arith.constant 0 : i32
      %dma_start3A_99 = tpu.memref_slice %dma_start3A_96[%dma_start3A_97, %dma_start3A_98] : memref<10000x64xf32, #tpu.memory_space<hbm>> -> memref<10000x64xf32, #tpu.memory_space<hbm>>
      tpu.enqueue_indirect_dma source(%dma_start3A_99 : memref<10000x64xf32, #tpu.memory_space<hbm>>) target(%arg12 : memref<80x64xf32, #tpu.memory_space<vmem>>) offsets(%arg14 : memref<80xi32, #tpu.memory_space<vmem>>) semaphore(%arg22 : memref<!tpu.dma_semaphore, #tpu.memory_space<semaphore_mem>>)
      %dma_wait3A = arith.constant 0 : i32
      %dma_wait3A_100 = arith.constant 0 : i32
      %dma_wait3A_101 = tpu.memref_slice %arg5[%arg0, %dma_wait3A, %dma_wait3A_100] : memref<2x10000x64xf32, #tpu.memory_space<hbm>> -> memref<1x10000x64xf32, #tpu.memory_space<hbm>>
      %dma_wait3A_102 = tpu.memref_squeeze %dma_wait3A_101 : memref<1x10000x64xf32, #tpu.memory_space<hbm>> -> memref<10000x64xf32, #tpu.memory_space<hbm>>
      %dma_wait3A_103 = arith.constant 0 : i32
      %dma_wait3A_104 = arith.constant 0 : i32
      %dma_wait3A_105 = tpu.memref_slice %dma_wait3A_102[%dma_wait3A_103, %dma_wait3A_104] : memref<10000x64xf32, #tpu.memory_space<hbm>> -> memref<10000x64xf32, #tpu.memory_space<hbm>>
      tpu.wait_indirect_dma semaphore(%arg22 : memref<!tpu.dma_semaphore, #tpu.memory_space<semaphore_mem>>) src(%dma_wait3A_105 : memref<10000x64xf32, #tpu.memory_space<hbm>>) dst(%arg12 : memref<80x64xf32, #tpu.memory_space<vmem>>)
      %scan3A_106 = arith.constant 0 : i32
      %scan3A_107 = arith.constant 5 : i32
      %scan3A_108 = arith.addi %scan3A_106, %scan3A_107 : i32
      %scan3A_109 = arith.constant 1 : i32
      scf.for %scan3A_111 = %scan3A_106 to %scan3A_108 step %scan3A_109  : i32 {
        %mul3A_112 = arith.constant 1 : i32
        %mul3A_113 = arith.muli %scan3A_111, %mul3A_112 : i32
        %add3A_114 = arith.constant 0 : i32
        %add3A_115 = arith.addi %add3A_114, %mul3A_113 : i32
        %mul3A_116 = arith.constant 16 : i32
        %mul3A_117 = arith.muli %add3A_115, %mul3A_116 : i32
        %get3A = arith.index_cast %mul3A_117 : i32 to index
        %get3A_118 = tpu.vector_load %arg14[%get3A] {strides = array<i32>} : memref<80xi32, #tpu.memory_space<vmem>>, vector<16xi32>,
        %mul3A_119 = arith.constant 16 : i32
        %mul3A_120 = arith.muli %add3A_115, %mul3A_119 : i32
        %get3A_121 = arith.index_cast %mul3A_120 : i32 to index
        %get3A_122 = tpu.vector_load %arg15[%get3A_121] {strides = array<i32>} : memref<80xi32, #tpu.memory_space<vmem>>, vector<16xi32>,
        %mul3A_123 = arith.constant 16 : i32
        %mul3A_124 = arith.muli %add3A_115, %mul3A_123 : i32
        %get3A_125 = arith.index_cast %mul3A_124 : i32 to index
        %get3A_126 = tpu.vector_load %arg16[%get3A_125] {strides = array<i32>} : memref<80xf32, #tpu.memory_space<vmem>>, vector<16xf32>,
        %shift_right_arithmetic3A = arith.constant 4 : i32
        %shift_right_arithmetic3A_127 = vector.broadcast %shift_right_arithmetic3A : i32 to vector<16xi32>
        %shift_right_arithmetic3A_128 = arith.shrsi %get3A_118, %shift_right_arithmetic3A_127 : vector<16xi32>
        %and3A_129 = arith.constant 15 : i32
        %and3A_130 = vector.broadcast %and3A_129 : i32 to vector<16xi32>
        %and3A_131 = arith.andi %get3A_118, %and3A_130 : vector<16xi32>
        %gather3A = tpu.vector_load_idx %arg10[%shift_right_arithmetic3A_128, %and3A_131] : memref<640x16xf32, #tpu.memory_space<vmem>>[vector<16xi32>, vector<16xi32>], vector<16xf32>,
        %shift_right_arithmetic3A_132 = arith.constant 4 : i32
        %shift_right_arithmetic3A_133 = vector.broadcast %shift_right_arithmetic3A_132 : i32 to vector<16xi32>
        %shift_right_arithmetic3A_134 = arith.shrsi %get3A_122, %shift_right_arithmetic3A_133 : vector<16xi32>
        %and3A_135 = arith.constant 15 : i32
        %and3A_136 = vector.broadcast %and3A_135 : i32 to vector<16xi32>
        %and3A_137 = arith.andi %get3A_122, %and3A_136 : vector<16xi32>
        %gather3A_138 = tpu.vector_load_idx %arg10[%shift_right_arithmetic3A_134, %and3A_137] : memref<640x16xf32, #tpu.memory_space<vmem>>[vector<16xi32>, vector<16xi32>], vector<16xf32>,
        %mul3A_139 = arith.mulf %get3A_126, %gather3A : vector<16xf32>
        %mul3A_140 = arith.mulf %mul3A_139, %gather3A_138 : vector<16xf32>
        %mul3A_141 = arith.constant 16 : i32
        %mul3A_142 = arith.muli %add3A_115, %mul3A_141 : i32
        %add3A_143 = arith.constant 0 : i32
        %add3A_144 = arith.addi %mul3A_142, %add3A_143 : i32
        %broadcast_in_dim3A_145 = arith.constant 0 : i32
        %broadcast_in_dim3A_146 = vector.broadcast %broadcast_in_dim3A_145 : i32 to vector<16x1xi32>
        %gather3A_147 = vector.shape_cast %broadcast_in_dim3A_146 : vector<16x1xi32> to vector<16xi32>
        %gather3A_148 = tpu.dynamic_gather %mul3A_140[%gather3A_147] in [0] : vector<16xf32>, vector<16xi32> -> vector<16xf32>
        %get3A_149 = arith.index_cast %add3A_144 : i32 to index
        %get3A_150 = arith.constant 0 : index
        %get3A_151 = tpu.vector_load %arg12[%get3A_149, %get3A_150] {strides = array<i32>} : memref<80x64xf32, #tpu.memory_space<vmem>>, vector<16xf32>,
        %mul3A_152 = arith.mulf %get3A_151, %gather3A_148 : vector<16xf32>
        %swap3A = arith.index_cast %add3A_144 : i32 to index
        %swap3A_153 = arith.constant 0 : index
        %swap3A_154 = tpu.vector_load %arg12[%swap3A, %swap3A_153] {strides = array<i32>} : memref<80x64xf32, #tpu.memory_space<vmem>>, vector<16xf32>,
        tpu.vector_store %arg12[%swap3A, %swap3A_153], %mul3A_152 {strides = array<i32>} : memref<80x64xf32, #tpu.memory_space<vmem>>, vector<16xf32>,
        %get3A_155 = arith.index_cast %add3A_144 : i32 to index
        %get3A_156 = arith.constant 16 : index
        %get3A_157 = tpu.vector_load %arg12[%get3A_155, %get3A_156] {strides = array<i32>} : memref<80x64xf32, #tpu.memory_space<vmem>>, vector<16xf32>,
        %mul3A_158 = arith.mulf %get3A_157, %gather3A_148 : vector<16xf32>
        %swap3A_159 = arith.index_cast %add3A_144 : i32 to index
        %swap3A_160 = arith.constant 16 : index
        %swap3A_161 = tpu.vector_load %arg12[%swap3A_159, %swap3A_160] {strides = array<i32>} : memref<80x64xf32, #tpu.memory_space<vmem>>, vector<16xf32>,
        tpu.vector_store %arg12[%swap3A_159, %swap3A_160], %mul3A_158 {strides = array<i32>} : memref<80x64xf32, #tpu.memory_space<vmem>>, vector<16xf32>,
        %get3A_162 = arith.index_cast %add3A_144 : i32 to index
        %get3A_163 = arith.constant 32 : index
        %get3A_164 = tpu.vector_load %arg12[%get3A_162, %get3A_163] {strides = array<i32>} : memref<80x64xf32, #tpu.memory_space<vmem>>, vector<16xf32>,
        %mul3A_165 = arith.mulf %get3A_164, %gather3A_148 : vector<16xf32>
        %swap3A_166 = arith.index_cast %add3A_144 : i32 to index
        %swap3A_167 = arith.constant 32 : index
        %swap3A_168 = tpu.vector_load %arg12[%swap3A_166, %swap3A_167] {strides = array<i32>} : memref<80x64xf32, #tpu.memory_space<vmem>>, vector<16xf32>,
        tpu.vector_store %arg12[%swap3A_166, %swap3A_167], %mul3A_165 {strides = array<i32>} : memref<80x64xf32, #tpu.memory_space<vmem>>, vector<16xf32>,
        %get3A_169 = arith.index_cast %add3A_144 : i32 to index
        %get3A_170 = arith.constant 48 : index
        %get3A_171 = tpu.vector_load %arg12[%get3A_169, %get3A_170] {strides = array<i32>} : memref<80x64xf32, #tpu.memory_space<vmem>>, vector<16xf32>,
        %mul3A_172 = arith.mulf %get3A_171, %gather3A_148 : vector<16xf32>
        %swap3A_173 = arith.index_cast %add3A_144 : i32 to index
        %swap3A_174 = arith.constant 48 : index
        %swap3A_175 = tpu.vector_load %arg12[%swap3A_173, %swap3A_174] {strides = array<i32>} : memref<80x64xf32, #tpu.memory_space<vmem>>, vector<16xf32>,
        tpu.vector_store %arg12[%swap3A_173, %swap3A_174], %mul3A_172 {strides = array<i32>} : memref<80x64xf32, #tpu.memory_space<vmem>>, vector<16xf32>,
        %mul3A_176 = arith.constant 16 : i32
        %mul3A_177 = arith.muli %add3A_115, %mul3A_176 : i32
        %add3A_178 = arith.constant 1 : i32
        %add3A_179 = arith.addi %mul3A_177, %add3A_178 : i32
        %broadcast_in_dim3A_180 = arith.constant 1 : i32
        %broadcast_in_dim3A_181 = vector.broadcast %broadcast_in_dim3A_180 : i32 to vector<16x1xi32>
        %gather3A_182 = vector.shape_cast %broadcast_in_dim3A_181 : vector<16x1xi32> to vector<16xi32>
        %gather3A_183 = tpu.dynamic_gather %mul3A_140[%gather3A_182] in [0] : vector<16xf32>, vector<16xi32> -> vector<16xf32>
        %get3A_184 = arith.index_cast %add3A_179 : i32 to index
        %get3A_185 = arith.constant 0 : index
        %get3A_186 = tpu.vector_load %arg12[%get3A_184, %get3A_185] {strides = array<i32>} : memref<80x64xf32, #tpu.memory_space<vmem>>, vector<16xf32>,
        %mul3A_187 = arith.mulf %get3A_186, %gather3A_183 : vector<16xf32>
        %swap3A_188 = arith.index_cast %add3A_179 : i32 to index
        %swap3A_189 = arith.constant 0 : index
        %swap3A_190 = tpu.vector_load %arg12[%swap3A_188, %swap3A_189] {strides = array<i32>} : memref<80x64xf32, #tpu.memory_space<vmem>>, vector<16xf32>,
        tpu.vector_store %arg12[%swap3A_188, %swap3A_189], %mul3A_187 {strides = array<i32>} : memref<80x64xf32, #tpu.memory_space<vmem>>, vector<16xf32>,
        %get3A_191 = arith.index_cast %add3A_179 : i32 to index
        %get3A_192 = arith.constant 16 : index
        %get3A_193 = tpu.vector_load %arg12[%get3A_191, %get3A_192] {strides = array<i32>} : memref<80x64xf32, #tpu.memory_space<vmem>>, vector<16xf32>,
        %mul3A_194 = arith.mulf %get3A_193, %gather3A_183 : vector<16xf32>
        %swap3A_195 = arith.index_cast %add3A_179 : i32 to index
        %swap3A_196 = arith.constant 16 : index
        %swap3A_197 = tpu.vector_load %arg12[%swap3A_195, %swap3A_196] {strides = array<i32>} : memref<80x64xf32, #tpu.memory_space<vmem>>, vector<16xf32>,
        tpu.vector_store %arg12[%swap3A_195, %swap3A_196], %mul3A_194 {strides = array<i32>} : memref<80x64xf32, #tpu.memory_space<vmem>>, vector<16xf32>,
        %get3A_198 = arith.index_cast %add3A_179 : i32 to index
        %get3A_199 = arith.constant 32 : index
        %get3A_200 = tpu.vector_load %arg12[%get3A_198, %get3A_199] {strides = array<i32>} : memref<80x64xf32, #tpu.memory_space<vmem>>, vector<16xf32>,
        %mul3A_201 = arith.mulf %get3A_200, %gather3A_183 : vector<16xf32>
        %swap3A_202 = arith.index_cast %add3A_179 : i32 to index
        %swap3A_203 = arith.constant 32 : index
        %swap3A_204 = tpu.vector_load %arg12[%swap3A_202, %swap3A_203] {strides = array<i32>} : memref<80x64xf32, #tpu.memory_space<vmem>>, vector<16xf32>,
        tpu.vector_store %arg12[%swap3A_202, %swap3A_203], %mul3A_201 {strides = array<i32>} : memref<80x64xf32, #tpu.memory_space<vmem>>, vector<16xf32>,
        %get3A_205 = arith.index_cast %add3A_179 : i32 to index
        %get3A_206 = arith.constant 48 : index
        %get3A_207 = tpu.vector_load %arg12[%get3A_205, %get3A_206] {strides = array<i32>} : memref<80x64xf32, #tpu.memory_space<vmem>>, vector<16xf32>,
        %mul3A_208 = arith.mulf %get3A_207, %gather3A_183 : vector<16xf32>
        %swap3A_209 = arith.index_cast %add3A_179 : i32 to index
        %swap3A_210 = arith.constant 48 : index
        %swap3A_211 = tpu.vector_load %arg12[%swap3A_209, %swap3A_210] {strides = array<i32>} : memref<80x64xf32, #tpu.memory_space<vmem>>, vector<16xf32>,
        tpu.vector_store %arg12[%swap3A_209, %swap3A_210], %mul3A_208 {strides = array<i32>} : memref<80x64xf32, #tpu.memory_space<vmem>>, vector<16xf32>,
        %mul3A_212 = arith.constant 16 : i32
        %mul3A_213 = arith.muli %add3A_115, %mul3A_212 : i32
        %add3A_214 = arith.constant 2 : i32
        %add3A_215 = arith.addi %mul3A_213, %add3A_214 : i32
        %broadcast_in_dim3A_216 = arith.constant 2 : i32
        %broadcast_in_dim3A_217 = vector.broadcast %broadcast_in_dim3A_216 : i32 to vector<16x1xi32>
        %gather3A_218 = vector.shape_cast %broadcast_in_dim3A_217 : vector<16x1xi32> to vector<16xi32>
        %gather3A_219 = tpu.dynamic_gather %mul3A_140[%gather3A_218] in [0] : vector<16xf32>, vector<16xi32> -> vector<16xf32>
        %get3A_220 = arith.index_cast %add3A_215 : i32 to index
        %get3A_221 = arith.constant 0 : index
        %get3A_222 = tpu.vector_load %arg12[%get3A_220, %get3A_221] {strides = array<i32>} : memref<80x64xf32, #tpu.memory_space<vmem>>, vector<16xf32>,
        %mul3A_223 = arith.mulf %get3A_222, %gather3A_219 : vector<16xf32>
        %swap3A_224 = arith.index_cast %add3A_215 : i32 to index
        %swap3A_225 = arith.constant 0 : index
        %swap3A_226 = tpu.vector_load %arg12[%swap3A_224, %swap3A_225] {strides = array<i32>} : memref<80x64xf32, #tpu.memory_space<vmem>>, vector<16xf32>,
        tpu.vector_store %arg12[%swap3A_224, %swap3A_225], %mul3A_223 {strides = array<i32>} : memref<80x64xf32, #tpu.memory_space<vmem>>, vector<16xf32>,
        %get3A_227 = arith.index_cast %add3A_215 : i32 to index
        %get3A_228 = arith.constant 16 : index
        %get3A_229 = tpu.vector_load %arg12[%get3A_227, %get3A_228] {strides = array<i32>} : memref<80x64xf32, #tpu.memory_space<vmem>>, vector<16xf32>,
        %mul3A_230 = arith.mulf %get3A_229, %gather3A_219 : vector<16xf32>
        %swap3A_231 = arith.index_cast %add3A_215 : i32 to index
        %swap3A_232 = arith.constant 16 : index
        %swap3A_233 = tpu.vector_load %arg12[%swap3A_231, %swap3A_232] {strides = array<i32>} : memref<80x64xf32, #tpu.memory_space<vmem>>, vector<16xf32>,
        tpu.vector_store %arg12[%swap3A_231, %swap3A_232], %mul3A_230 {strides = array<i32>} : memref<80x64xf32, #tpu.memory_space<vmem>>, vector<16xf32>,
        %get3A_234 = arith.index_cast %add3A_215 : i32 to index
        %get3A_235 = arith.constant 32 : index
        %get3A_236 = tpu.vector_load %arg12[%get3A_234, %get3A_235] {strides = array<i32>} : memref<80x64xf32, #tpu.memory_space<vmem>>, vector<16xf32>,
        %mul3A_237 = arith.mulf %get3A_236, %gather3A_219 : vector<16xf32>
        %swap3A_238 = arith.index_cast %add3A_215 : i32 to index
        %swap3A_239 = arith.constant 32 : index
        %swap3A_240 = tpu.vector_load %arg12[%swap3A_238, %swap3A_239] {strides = array<i32>} : memref<80x64xf32, #tpu.memory_space<vmem>>, vector<16xf32>,
        tpu.vector_store %arg12[%swap3A_238, %swap3A_239], %mul3A_237 {strides = array<i32>} : memref<80x64xf32, #tpu.memory_space<vmem>>, vector<16xf32>,
        %get3A_241 = arith.index_cast %add3A_215 : i32 to index
        %get3A_242 = arith.constant 48 : index
        %get3A_243 = tpu.vector_load %arg12[%get3A_241, %get3A_242] {strides = array<i32>} : memref<80x64xf32, #tpu.memory_space<vmem>>, vector<16xf32>,
        %mul3A_244 = arith.mulf %get3A_243, %gather3A_219 : vector<16xf32>
        %swap3A_245 = arith.index_cast %add3A_215 : i32 to index
        %swap3A_246 = arith.constant 48 : index
        %swap3A_247 = tpu.vector_load %arg12[%swap3A_245, %swap3A_246] {strides = array<i32>} : memref<80x64xf32, #tpu.memory_space<vmem>>, vector<16xf32>,
        tpu.vector_store %arg12[%swap3A_245, %swap3A_246], %mul3A_244 {strides = array<i32>} : memref<80x64xf32, #tpu.memory_space<vmem>>, vector<16xf32>,
        %mul3A_248 = arith.constant 16 : i32
        %mul3A_249 = arith.muli %add3A_115, %mul3A_248 : i32
        %add3A_250 = arith.constant 3 : i32
        %add3A_251 = arith.addi %mul3A_249, %add3A_250 : i32
        %broadcast_in_dim3A_252 = arith.constant 3 : i32
        %broadcast_in_dim3A_253 = vector.broadcast %broadcast_in_dim3A_252 : i32 to vector<16x1xi32>
        %gather3A_254 = vector.shape_cast %broadcast_in_dim3A_253 : vector<16x1xi32> to vector<16xi32>
        %gather3A_255 = tpu.dynamic_gather %mul3A_140[%gather3A_254] in [0] : vector<16xf32>, vector<16xi32> -> vector<16xf32>
        %get3A_256 = arith.index_cast %add3A_251 : i32 to index
        %get3A_257 = arith.constant 0 : index
        %get3A_258 = tpu.vector_load %arg12[%get3A_256, %get3A_257] {strides = array<i32>} : memref<80x64xf32, #tpu.memory_space<vmem>>, vector<16xf32>,
        %mul3A_259 = arith.mulf %get3A_258, %gather3A_255 : vector<16xf32>
        %swap3A_260 = arith.index_cast %add3A_251 : i32 to index
        %swap3A_261 = arith.constant 0 : index
        %swap3A_262 = tpu.vector_load %arg12[%swap3A_260, %swap3A_261] {strides = array<i32>} : memref<80x64xf32, #tpu.memory_space<vmem>>, vector<16xf32>,
        tpu.vector_store %arg12[%swap3A_260, %swap3A_261], %mul3A_259 {strides = array<i32>} : memref<80x64xf32, #tpu.memory_space<vmem>>, vector<16xf32>,
        %get3A_263 = arith.index_cast %add3A_251 : i32 to index
        %get3A_264 = arith.constant 16 : index
        %get3A_265 = tpu.vector_load %arg12[%get3A_263, %get3A_264] {strides = array<i32>} : memref<80x64xf32, #tpu.memory_space<vmem>>, vector<16xf32>,
        %mul3A_266 = arith.mulf %get3A_265, %gather3A_255 : vector<16xf32>
        %swap3A_267 = arith.index_cast %add3A_251 : i32 to index
        %swap3A_268 = arith.constant 16 : index
        %swap3A_269 = tpu.vector_load %arg12[%swap3A_267, %swap3A_268] {strides = array<i32>} : memref<80x64xf32, #tpu.memory_space<vmem>>, vector<16xf32>,
        tpu.vector_store %arg12[%swap3A_267, %swap3A_268], %mul3A_266 {strides = array<i32>} : memref<80x64xf32, #tpu.memory_space<vmem>>, vector<16xf32>,
        %get3A_270 = arith.index_cast %add3A_251 : i32 to index
        %get3A_271 = arith.constant 32 : index
        %get3A_272 = tpu.vector_load %arg12[%get3A_270, %get3A_271] {strides = array<i32>} : memref<80x64xf32, #tpu.memory_space<vmem>>, vector<16xf32>,
        %mul3A_273 = arith.mulf %get3A_272, %gather3A_255 : vector<16xf32>
        %swap3A_274 = arith.index_cast %add3A_251 : i32 to index
        %swap3A_275 = arith.constant 32 : index
        %swap3A_276 = tpu.vector_load %arg12[%swap3A_274, %swap3A_275] {strides = array<i32>} : memref<80x64xf32, #tpu.memory_space<vmem>>, vector<16xf32>,
        tpu.vector_store %arg12[%swap3A_274, %swap3A_275], %mul3A_273 {strides = array<i32>} : memref<80x64xf32, #tpu.memory_space<vmem>>, vector<16xf32>,
        %get3A_277 = arith.index_cast %add3A_251 : i32 to index
        %get3A_278 = arith.constant 48 : index
        %get3A_279 = tpu.vector_load %arg12[%get3A_277, %get3A_278] {strides = array<i32>} : memref<80x64xf32, #tpu.memory_space<vmem>>, vector<16xf32>,
        %mul3A_280 = arith.mulf %get3A_279, %gather3A_255 : vector<16xf32>
        %swap3A_281 = arith.index_cast %add3A_251 : i32 to index
        %swap3A_282 = arith.constant 48 : index
        %swap3A_283 = tpu.vector_load %arg12[%swap3A_281, %swap3A_282] {strides = array<i32>} : memref<80x64xf32, #tpu.memory_space<vmem>>, vector<16xf32>,
        tpu.vector_store %arg12[%swap3A_281, %swap3A_282], %mul3A_280 {strides = array<i32>} : memref<80x64xf32, #tpu.memory_space<vmem>>, vector<16xf32>,
        %mul3A_284 = arith.constant 16 : i32
        %mul3A_285 = arith.muli %add3A_115, %mul3A_284 : i32
        %add3A_286 = arith.constant 4 : i32
        %add3A_287 = arith.addi %mul3A_285, %add3A_286 : i32
        %broadcast_in_dim3A_288 = arith.constant 4 : i32
        %broadcast_in_dim3A_289 = vector.broadcast %broadcast_in_dim3A_288 : i32 to vector<16x1xi32>
        %gather3A_290 = vector.shape_cast %broadcast_in_dim3A_289 : vector<16x1xi32> to vector<16xi32>
        %gather3A_291 = tpu.dynamic_gather %mul3A_140[%gather3A_290] in [0] : vector<16xf32>, vector<16xi32> -> vector<16xf32>
        %get3A_292 = arith.index_cast %add3A_287 : i32 to index
        %get3A_293 = arith.constant 0 : index
        %get3A_294 = tpu.vector_load %arg12[%get3A_292, %get3A_293] {strides = array<i32>} : memref<80x64xf32, #tpu.memory_space<vmem>>, vector<16xf32>,
        %mul3A_295 = arith.mulf %get3A_294, %gather3A_291 : vector<16xf32>
        %swap3A_296 = arith.index_cast %add3A_287 : i32 to index
        %swap3A_297 = arith.constant 0 : index
        %swap3A_298 = tpu.vector_load %arg12[%swap3A_296, %swap3A_297] {strides = array<i32>} : memref<80x64xf32, #tpu.memory_space<vmem>>, vector<16xf32>,
        tpu.vector_store %arg12[%swap3A_296, %swap3A_297], %mul3A_295 {strides = array<i32>} : memref<80x64xf32, #tpu.memory_space<vmem>>, vector<16xf32>,
        %get3A_299 = arith.index_cast %add3A_287 : i32 to index
        %get3A_300 = arith.constant 16 : index
        %get3A_301 = tpu.vector_load %arg12[%get3A_299, %get3A_300] {strides = array<i32>} : memref<80x64xf32, #tpu.memory_space<vmem>>, vector<16xf32>,
        %mul3A_302 = arith.mulf %get3A_301, %gather3A_291 : vector<16xf32>
        %swap3A_303 = arith.index_cast %add3A_287 : i32 to index
        %swap3A_304 = arith.constant 16 : index
        %swap3A_305 = tpu.vector_load %arg12[%swap3A_303, %swap3A_304] {strides = array<i32>} : memref<80x64xf32, #tpu.memory_space<vmem>>, vector<16xf32>,
        tpu.vector_store %arg12[%swap3A_303, %swap3A_304], %mul3A_302 {strides = array<i32>} : memref<80x64xf32, #tpu.memory_space<vmem>>, vector<16xf32>,
        %get3A_306 = arith.index_cast %add3A_287 : i32 to index
        %get3A_307 = arith.constant 32 : index
        %get3A_308 = tpu.vector_load %arg12[%get3A_306, %get3A_307] {strides = array<i32>} : memref<80x64xf32, #tpu.memory_space<vmem>>, vector<16xf32>,
        %mul3A_309 = arith.mulf %get3A_308, %gather3A_291 : vector<16xf32>
        %swap3A_310 = arith.index_cast %add3A_287 : i32 to index
        %swap3A_311 = arith.constant 32 : index
        %swap3A_312 = tpu.vector_load %arg12[%swap3A_310, %swap3A_311] {strides = array<i32>} : memref<80x64xf32, #tpu.memory_space<vmem>>, vector<16xf32>,
        tpu.vector_store %arg12[%swap3A_310, %swap3A_311], %mul3A_309 {strides = array<i32>} : memref<80x64xf32, #tpu.memory_space<vmem>>, vector<16xf32>,
        %get3A_313 = arith.index_cast %add3A_287 : i32 to index
        %get3A_314 = arith.constant 48 : index
        %get3A_315 = tpu.vector_load %arg12[%get3A_313, %get3A_314] {strides = array<i32>} : memref<80x64xf32, #tpu.memory_space<vmem>>, vector<16xf32>,
        %mul3A_316 = arith.mulf %get3A_315, %gather3A_291 : vector<16xf32>
        %swap3A_317 = arith.index_cast %add3A_287 : i32 to index
        %swap3A_318 = arith.constant 48 : index
        %swap3A_319 = tpu.vector_load %arg12[%swap3A_317, %swap3A_318] {strides = array<i32>} : memref<80x64xf32, #tpu.memory_space<vmem>>, vector<16xf32>,
        tpu.vector_store %arg12[%swap3A_317, %swap3A_318], %mul3A_316 {strides = array<i32>} : memref<80x64xf32, #tpu.memory_space<vmem>>, vector<16xf32>,
        %mul3A_320 = arith.constant 16 : i32
        %mul3A_321 = arith.muli %add3A_115, %mul3A_320 : i32
        %add3A_322 = arith.constant 5 : i32
        %add3A_323 = arith.addi %mul3A_321, %add3A_322 : i32
        %broadcast_in_dim3A_324 = arith.constant 5 : i32
        %broadcast_in_dim3A_325 = vector.broadcast %broadcast_in_dim3A_324 : i32 to vector<16x1xi32>
        %gather3A_326 = vector.shape_cast %broadcast_in_dim3A_325 : vector<16x1xi32> to vector<16xi32>
        %gather3A_327 = tpu.dynamic_gather %mul3A_140[%gather3A_326] in [0] : vector<16xf32>, vector<16xi32> -> vector<16xf32>
        %get3A_328 = arith.index_cast %add3A_323 : i32 to index
        %get3A_329 = arith.constant 0 : index
        %get3A_330 = tpu.vector_load %arg12[%get3A_328, %get3A_329] {strides = array<i32>} : memref<80x64xf32, #tpu.memory_space<vmem>>, vector<16xf32>,
        %mul3A_331 = arith.mulf %get3A_330, %gather3A_327 : vector<16xf32>
        %swap3A_332 = arith.index_cast %add3A_323 : i32 to index
        %swap3A_333 = arith.constant 0 : index
        %swap3A_334 = tpu.vector_load %arg12[%swap3A_332, %swap3A_333] {strides = array<i32>} : memref<80x64xf32, #tpu.memory_space<vmem>>, vector<16xf32>,
        tpu.vector_store %arg12[%swap3A_332, %swap3A_333], %mul3A_331 {strides = array<i32>} : memref<80x64xf32, #tpu.memory_space<vmem>>, vector<16xf32>,
        %get3A_335 = arith.index_cast %add3A_323 : i32 to index
        %get3A_336 = arith.constant 16 : index
        %get3A_337 = tpu.vector_load %arg12[%get3A_335, %get3A_336] {strides = array<i32>} : memref<80x64xf32, #tpu.memory_space<vmem>>, vector<16xf32>,
        %mul3A_338 = arith.mulf %get3A_337, %gather3A_327 : vector<16xf32>
        %swap3A_339 = arith.index_cast %add3A_323 : i32 to index
        %swap3A_340 = arith.constant 16 : index
        %swap3A_341 = tpu.vector_load %arg12[%swap3A_339, %swap3A_340] {strides = array<i32>} : memref<80x64xf32, #tpu.memory_space<vmem>>, vector<16xf32>,
        tpu.vector_store %arg12[%swap3A_339, %swap3A_340], %mul3A_338 {strides = array<i32>} : memref<80x64xf32, #tpu.memory_space<vmem>>, vector<16xf32>,
        %get3A_342 = arith.index_cast %add3A_323 : i32 to index
        %get3A_343 = arith.constant 32 : index
        %get3A_344 = tpu.vector_load %arg12[%get3A_342, %get3A_343] {strides = array<i32>} : memref<80x64xf32, #tpu.memory_space<vmem>>, vector<16xf32>,
        %mul3A_345 = arith.mulf %get3A_344, %gather3A_327 : vector<16xf32>
        %swap3A_346 = arith.index_cast %add3A_323 : i32 to index
        %swap3A_347 = arith.constant 32 : index
        %swap3A_348 = tpu.vector_load %arg12[%swap3A_346, %swap3A_347] {strides = array<i32>} : memref<80x64xf32, #tpu.memory_space<vmem>>, vector<16xf32>,
        tpu.vector_store %arg12[%swap3A_346, %swap3A_347], %mul3A_345 {strides = array<i32>} : memref<80x64xf32, #tpu.memory_space<vmem>>, vector<16xf32>,
        %get3A_349 = arith.index_cast %add3A_323 : i32 to index
        %get3A_350 = arith.constant 48 : index
        %get3A_351 = tpu.vector_load %arg12[%get3A_349, %get3A_350] {strides = array<i32>} : memref<80x64xf32, #tpu.memory_space<vmem>>, vector<16xf32>,
        %mul3A_352 = arith.mulf %get3A_351, %gather3A_327 : vector<16xf32>
        %swap3A_353 = arith.index_cast %add3A_323 : i32 to index
        %swap3A_354 = arith.constant 48 : index
        %swap3A_355 = tpu.vector_load %arg12[%swap3A_353, %swap3A_354] {strides = array<i32>} : memref<80x64xf32, #tpu.memory_space<vmem>>, vector<16xf32>,
        tpu.vector_store %arg12[%swap3A_353, %swap3A_354], %mul3A_352 {strides = array<i32>} : memref<80x64xf32, #tpu.memory_space<vmem>>, vector<16xf32>,
        %mul3A_356 = arith.constant 16 : i32
        %mul3A_357 = arith.muli %add3A_115, %mul3A_356 : i32
        %add3A_358 = arith.constant 6 : i32
        %add3A_359 = arith.addi %mul3A_357, %add3A_358 : i32
        %broadcast_in_dim3A_360 = arith.constant 6 : i32
        %broadcast_in_dim3A_361 = vector.broadcast %broadcast_in_dim3A_360 : i32 to vector<16x1xi32>
        %gather3A_362 = vector.shape_cast %broadcast_in_dim3A_361 : vector<16x1xi32> to vector<16xi32>
        %gather3A_363 = tpu.dynamic_gather %mul3A_140[%gather3A_362] in [0] : vector<16xf32>, vector<16xi32> -> vector<16xf32>
        %get3A_364 = arith.index_cast %add3A_359 : i32 to index
        %get3A_365 = arith.constant 0 : index
        %get3A_366 = tpu.vector_load %arg12[%get3A_364, %get3A_365] {strides = array<i32>} : memref<80x64xf32, #tpu.memory_space<vmem>>, vector<16xf32>,
        %mul3A_367 = arith.mulf %get3A_366, %gather3A_363 : vector<16xf32>
        %swap3A_368 = arith.index_cast %add3A_359 : i32 to index
        %swap3A_369 = arith.constant 0 : index
        %swap3A_370 = tpu.vector_load %arg12[%swap3A_368, %swap3A_369] {strides = array<i32>} : memref<80x64xf32, #tpu.memory_space<vmem>>, vector<16xf32>,
        tpu.vector_store %arg12[%swap3A_368, %swap3A_369], %mul3A_367 {strides = array<i32>} : memref<80x64xf32, #tpu.memory_space<vmem>>, vector<16xf32>,
        %get3A_371 = arith.index_cast %add3A_359 : i32 to index
        %get3A_372 = arith.constant 16 : index
        %get3A_373 = tpu.vector_load %arg12[%get3A_371, %get3A_372] {strides = array<i32>} : memref<80x64xf32, #tpu.memory_space<vmem>>, vector<16xf32>,
        %mul3A_374 = arith.mulf %get3A_373, %gather3A_363 : vector<16xf32>
        %swap3A_375 = arith.index_cast %add3A_359 : i32 to index
        %swap3A_376 = arith.constant 16 : index
        %swap3A_377 = tpu.vector_load %arg12[%swap3A_375, %swap3A_376] {strides = array<i32>} : memref<80x64xf32, #tpu.memory_space<vmem>>, vector<16xf32>,
        tpu.vector_store %arg12[%swap3A_375, %swap3A_376], %mul3A_374 {strides = array<i32>} : memref<80x64xf32, #tpu.memory_space<vmem>>, vector<16xf32>,
        %get3A_378 = arith.index_cast %add3A_359 : i32 to index
        %get3A_379 = arith.constant 32 : index
        %get3A_380 = tpu.vector_load %arg12[%get3A_378, %get3A_379] {strides = array<i32>} : memref<80x64xf32, #tpu.memory_space<vmem>>, vector<16xf32>,
        %mul3A_381 = arith.mulf %get3A_380, %gather3A_363 : vector<16xf32>
        %swap3A_382 = arith.index_cast %add3A_359 : i32 to index
        %swap3A_383 = arith.constant 32 : index
        %swap3A_384 = tpu.vector_load %arg12[%swap3A_382, %swap3A_383] {strides = array<i32>} : memref<80x64xf32, #tpu.memory_space<vmem>>, vector<16xf32>,
        tpu.vector_store %arg12[%swap3A_382, %swap3A_383], %mul3A_381 {strides = array<i32>} : memref<80x64xf32, #tpu.memory_space<vmem>>, vector<16xf32>,
        %get3A_385 = arith.index_cast %add3A_359 : i32 to index
        %get3A_386 = arith.constant 48 : index
        %get3A_387 = tpu.vector_load %arg12[%get3A_385, %get3A_386] {strides = array<i32>} : memref<80x64xf32, #tpu.memory_space<vmem>>, vector<16xf32>,
        %mul3A_388 = arith.mulf %get3A_387, %gather3A_363 : vector<16xf32>
        %swap3A_389 = arith.index_cast %add3A_359 : i32 to index
        %swap3A_390 = arith.constant 48 : index
        %swap3A_391 = tpu.vector_load %arg12[%swap3A_389, %swap3A_390] {strides = array<i32>} : memref<80x64xf32, #tpu.memory_space<vmem>>, vector<16xf32>,
        tpu.vector_store %arg12[%swap3A_389, %swap3A_390], %mul3A_388 {strides = array<i32>} : memref<80x64xf32, #tpu.memory_space<vmem>>, vector<16xf32>,
        %mul3A_392 = arith.constant 16 : i32
        %mul3A_393 = arith.muli %add3A_115, %mul3A_392 : i32
        %add3A_394 = arith.constant 7 : i32
        %add3A_395 = arith.addi %mul3A_393, %add3A_394 : i32
        %broadcast_in_dim3A_396 = arith.constant 7 : i32
        %broadcast_in_dim3A_397 = vector.broadcast %broadcast_in_dim3A_396 : i32 to vector<16x1xi32>
        %gather3A_398 = vector.shape_cast %broadcast_in_dim3A_397 : vector<16x1xi32> to vector<16xi32>
        %gather3A_399 = tpu.dynamic_gather %mul3A_140[%gather3A_398] in [0] : vector<16xf32>, vector<16xi32> -> vector<16xf32>
        %get3A_400 = arith.index_cast %add3A_395 : i32 to index
        %get3A_401 = arith.constant 0 : index
        %get3A_402 = tpu.vector_load %arg12[%get3A_400, %get3A_401] {strides = array<i32>} : memref<80x64xf32, #tpu.memory_space<vmem>>, vector<16xf32>,
        %mul3A_403 = arith.mulf %get3A_402, %gather3A_399 : vector<16xf32>
        %swap3A_404 = arith.index_cast %add3A_395 : i32 to index
        %swap3A_405 = arith.constant 0 : index
        %swap3A_406 = tpu.vector_load %arg12[%swap3A_404, %swap3A_405] {strides = array<i32>} : memref<80x64xf32, #tpu.memory_space<vmem>>, vector<16xf32>,
        tpu.vector_store %arg12[%swap3A_404, %swap3A_405], %mul3A_403 {strides = array<i32>} : memref<80x64xf32, #tpu.memory_space<vmem>>, vector<16xf32>,
        %get3A_407 = arith.index_cast %add3A_395 : i32 to index
        %get3A_408 = arith.constant 16 : index
        %get3A_409 = tpu.vector_load %arg12[%get3A_407, %get3A_408] {strides = array<i32>} : memref<80x64xf32, #tpu.memory_space<vmem>>, vector<16xf32>,
        %mul3A_410 = arith.mulf %get3A_409, %gather3A_399 : vector<16xf32>
        %swap3A_411 = arith.index_cast %add3A_395 : i32 to index
        %swap3A_412 = arith.constant 16 : index
        %swap3A_413 = tpu.vector_load %arg12[%swap3A_411, %swap3A_412] {strides = array<i32>} : memref<80x64xf32, #tpu.memory_space<vmem>>, vector<16xf32>,
        tpu.vector_store %arg12[%swap3A_411, %swap3A_412], %mul3A_410 {strides = array<i32>} : memref<80x64xf32, #tpu.memory_space<vmem>>, vector<16xf32>,
        %get3A_414 = arith.index_cast %add3A_395 : i32 to index
        %get3A_415 = arith.constant 32 : index
        %get3A_416 = tpu.vector_load %arg12[%get3A_414, %get3A_415] {strides = array<i32>} : memref<80x64xf32, #tpu.memory_space<vmem>>, vector<16xf32>,
        %mul3A_417 = arith.mulf %get3A_416, %gather3A_399 : vector<16xf32>
        %swap3A_418 = arith.index_cast %add3A_395 : i32 to index
        %swap3A_419 = arith.constant 32 : index
        %swap3A_420 = tpu.vector_load %arg12[%swap3A_418, %swap3A_419] {strides = array<i32>} : memref<80x64xf32, #tpu.memory_space<vmem>>, vector<16xf32>,
        tpu.vector_store %arg12[%swap3A_418, %swap3A_419], %mul3A_417 {strides = array<i32>} : memref<80x64xf32, #tpu.memory_space<vmem>>, vector<16xf32>,
        %get3A_421 = arith.index_cast %add3A_395 : i32 to index
        %get3A_422 = arith.constant 48 : index
        %get3A_423 = tpu.vector_load %arg12[%get3A_421, %get3A_422] {strides = array<i32>} : memref<80x64xf32, #tpu.memory_space<vmem>>, vector<16xf32>,
        %mul3A_424 = arith.mulf %get3A_423, %gather3A_399 : vector<16xf32>
        %swap3A_425 = arith.index_cast %add3A_395 : i32 to index
        %swap3A_426 = arith.constant 48 : index
        %swap3A_427 = tpu.vector_load %arg12[%swap3A_425, %swap3A_426] {strides = array<i32>} : memref<80x64xf32, #tpu.memory_space<vmem>>, vector<16xf32>,
        tpu.vector_store %arg12[%swap3A_425, %swap3A_426], %mul3A_424 {strides = array<i32>} : memref<80x64xf32, #tpu.memory_space<vmem>>, vector<16xf32>,
        %mul3A_428 = arith.constant 16 : i32
        %mul3A_429 = arith.muli %add3A_115, %mul3A_428 : i32
        %add3A_430 = arith.constant 8 : i32
        %add3A_431 = arith.addi %mul3A_429, %add3A_430 : i32
        %broadcast_in_dim3A_432 = arith.constant 8 : i32
        %broadcast_in_dim3A_433 = vector.broadcast %broadcast_in_dim3A_432 : i32 to vector<16x1xi32>
        %gather3A_434 = vector.shape_cast %broadcast_in_dim3A_433 : vector<16x1xi32> to vector<16xi32>
        %gather3A_435 = tpu.dynamic_gather %mul3A_140[%gather3A_434] in [0] : vector<16xf32>, vector<16xi32> -> vector<16xf32>
        %get3A_436 = arith.index_cast %add3A_431 : i32 to index
        %get3A_437 = arith.constant 0 : index
        %get3A_438 = tpu.vector_load %arg12[%get3A_436, %get3A_437] {strides = array<i32>} : memref<80x64xf32, #tpu.memory_space<vmem>>, vector<16xf32>,
        %mul3A_439 = arith.mulf %get3A_438, %gather3A_435 : vector<16xf32>
        %swap3A_440 = arith.index_cast %add3A_431 : i32 to index
        %swap3A_441 = arith.constant 0 : index
        %swap3A_442 = tpu.vector_load %arg12[%swap3A_440, %swap3A_441] {strides = array<i32>} : memref<80x64xf32, #tpu.memory_space<vmem>>, vector<16xf32>,
        tpu.vector_store %arg12[%swap3A_440, %swap3A_441], %mul3A_439 {strides = array<i32>} : memref<80x64xf32, #tpu.memory_space<vmem>>, vector<16xf32>,
        %get3A_443 = arith.index_cast %add3A_431 : i32 to index
        %get3A_444 = arith.constant 16 : index
        %get3A_445 = tpu.vector_load %arg12[%get3A_443, %get3A_444] {strides = array<i32>} : memref<80x64xf32, #tpu.memory_space<vmem>>, vector<16xf32>,
        %mul3A_446 = arith.mulf %get3A_445, %gather3A_435 : vector<16xf32>
        %swap3A_447 = arith.index_cast %add3A_431 : i32 to index
        %swap3A_448 = arith.constant 16 : index
        %swap3A_449 = tpu.vector_load %arg12[%swap3A_447, %swap3A_448] {strides = array<i32>} : memref<80x64xf32, #tpu.memory_space<vmem>>, vector<16xf32>,
        tpu.vector_store %arg12[%swap3A_447, %swap3A_448], %mul3A_446 {strides = array<i32>} : memref<80x64xf32, #tpu.memory_space<vmem>>, vector<16xf32>,
        %get3A_450 = arith.index_cast %add3A_431 : i32 to index
        %get3A_451 = arith.constant 32 : index
        %get3A_452 = tpu.vector_load %arg12[%get3A_450, %get3A_451] {strides = array<i32>} : memref<80x64xf32, #tpu.memory_space<vmem>>, vector<16xf32>,
        %mul3A_453 = arith.mulf %get3A_452, %gather3A_435 : vector<16xf32>
        %swap3A_454 = arith.index_cast %add3A_431 : i32 to index
        %swap3A_455 = arith.constant 32 : index
        %swap3A_456 = tpu.vector_load %arg12[%swap3A_454, %swap3A_455] {strides = array<i32>} : memref<80x64xf32, #tpu.memory_space<vmem>>, vector<16xf32>,
        tpu.vector_store %arg12[%swap3A_454, %swap3A_455], %mul3A_453 {strides = array<i32>} : memref<80x64xf32, #tpu.memory_space<vmem>>, vector<16xf32>,
        %get3A_457 = arith.index_cast %add3A_431 : i32 to index
        %get3A_458 = arith.constant 48 : index
        %get3A_459 = tpu.vector_load %arg12[%get3A_457, %get3A_458] {strides = array<i32>} : memref<80x64xf32, #tpu.memory_space<vmem>>, vector<16xf32>,
        %mul3A_460 = arith.mulf %get3A_459, %gather3A_435 : vector<16xf32>
        %swap3A_461 = arith.index_cast %add3A_431 : i32 to index
        %swap3A_462 = arith.constant 48 : index
        %swap3A_463 = tpu.vector_load %arg12[%swap3A_461, %swap3A_462] {strides = array<i32>} : memref<80x64xf32, #tpu.memory_space<vmem>>, vector<16xf32>,
        tpu.vector_store %arg12[%swap3A_461, %swap3A_462], %mul3A_460 {strides = array<i32>} : memref<80x64xf32, #tpu.memory_space<vmem>>, vector<16xf32>,
        %mul3A_464 = arith.constant 16 : i32
        %mul3A_465 = arith.muli %add3A_115, %mul3A_464 : i32
        %add3A_466 = arith.constant 9 : i32
        %add3A_467 = arith.addi %mul3A_465, %add3A_466 : i32
        %broadcast_in_dim3A_468 = arith.constant 9 : i32
        %broadcast_in_dim3A_469 = vector.broadcast %broadcast_in_dim3A_468 : i32 to vector<16x1xi32>
        %gather3A_470 = vector.shape_cast %broadcast_in_dim3A_469 : vector<16x1xi32> to vector<16xi32>
        %gather3A_471 = tpu.dynamic_gather %mul3A_140[%gather3A_470] in [0] : vector<16xf32>, vector<16xi32> -> vector<16xf32>
        %get3A_472 = arith.index_cast %add3A_467 : i32 to index
        %get3A_473 = arith.constant 0 : index
        %get3A_474 = tpu.vector_load %arg12[%get3A_472, %get3A_473] {strides = array<i32>} : memref<80x64xf32, #tpu.memory_space<vmem>>, vector<16xf32>,
        %mul3A_475 = arith.mulf %get3A_474, %gather3A_471 : vector<16xf32>
        %swap3A_476 = arith.index_cast %add3A_467 : i32 to index
        %swap3A_477 = arith.constant 0 : index
        %swap3A_478 = tpu.vector_load %arg12[%swap3A_476, %swap3A_477] {strides = array<i32>} : memref<80x64xf32, #tpu.memory_space<vmem>>, vector<16xf32>,
        tpu.vector_store %arg12[%swap3A_476, %swap3A_477], %mul3A_475 {strides = array<i32>} : memref<80x64xf32, #tpu.memory_space<vmem>>, vector<16xf32>,
        %get3A_479 = arith.index_cast %add3A_467 : i32 to index
        %get3A_480 = arith.constant 16 : index
        %get3A_481 = tpu.vector_load %arg12[%get3A_479, %get3A_480] {strides = array<i32>} : memref<80x64xf32, #tpu.memory_space<vmem>>, vector<16xf32>,
        %mul3A_482 = arith.mulf %get3A_481, %gather3A_471 : vector<16xf32>
        %swap3A_483 = arith.index_cast %add3A_467 : i32 to index
        %swap3A_484 = arith.constant 16 : index
        %swap3A_485 = tpu.vector_load %arg12[%swap3A_483, %swap3A_484] {strides = array<i32>} : memref<80x64xf32, #tpu.memory_space<vmem>>, vector<16xf32>,
        tpu.vector_store %arg12[%swap3A_483, %swap3A_484], %mul3A_482 {strides = array<i32>} : memref<80x64xf32, #tpu.memory_space<vmem>>, vector<16xf32>,
        %get3A_486 = arith.index_cast %add3A_467 : i32 to index
        %get3A_487 = arith.constant 32 : index
        %get3A_488 = tpu.vector_load %arg12[%get3A_486, %get3A_487] {strides = array<i32>} : memref<80x64xf32, #tpu.memory_space<vmem>>, vector<16xf32>,
        %mul3A_489 = arith.mulf %get3A_488, %gather3A_471 : vector<16xf32>
        %swap3A_490 = arith.index_cast %add3A_467 : i32 to index
        %swap3A_491 = arith.constant 32 : index
        %swap3A_492 = tpu.vector_load %arg12[%swap3A_490, %swap3A_491] {strides = array<i32>} : memref<80x64xf32, #tpu.memory_space<vmem>>, vector<16xf32>,
        tpu.vector_store %arg12[%swap3A_490, %swap3A_491], %mul3A_489 {strides = array<i32>} : memref<80x64xf32, #tpu.memory_space<vmem>>, vector<16xf32>,
        %get3A_493 = arith.index_cast %add3A_467 : i32 to index
        %get3A_494 = arith.constant 48 : index
        %get3A_495 = tpu.vector_load %arg12[%get3A_493, %get3A_494] {strides = array<i32>} : memref<80x64xf32, #tpu.memory_space<vmem>>, vector<16xf32>,
        %mul3A_496 = arith.mulf %get3A_495, %gather3A_471 : vector<16xf32>
        %swap3A_497 = arith.index_cast %add3A_467 : i32 to index
        %swap3A_498 = arith.constant 48 : index
        %swap3A_499 = tpu.vector_load %arg12[%swap3A_497, %swap3A_498] {strides = array<i32>} : memref<80x64xf32, #tpu.memory_space<vmem>>, vector<16xf32>,
        tpu.vector_store %arg12[%swap3A_497, %swap3A_498], %mul3A_496 {strides = array<i32>} : memref<80x64xf32, #tpu.memory_space<vmem>>, vector<16xf32>,
        %mul3A_500 = arith.constant 16 : i32
        %mul3A_501 = arith.muli %add3A_115, %mul3A_500 : i32
        %add3A_502 = arith.constant 10 : i32
        %add3A_503 = arith.addi %mul3A_501, %add3A_502 : i32
        %broadcast_in_dim3A_504 = arith.constant 10 : i32
        %broadcast_in_dim3A_505 = vector.broadcast %broadcast_in_dim3A_504 : i32 to vector<16x1xi32>
        %gather3A_506 = vector.shape_cast %broadcast_in_dim3A_505 : vector<16x1xi32> to vector<16xi32>
        %gather3A_507 = tpu.dynamic_gather %mul3A_140[%gather3A_506] in [0] : vector<16xf32>, vector<16xi32> -> vector<16xf32>
        %get3A_508 = arith.index_cast %add3A_503 : i32 to index
        %get3A_509 = arith.constant 0 : index
        %get3A_510 = tpu.vector_load %arg12[%get3A_508, %get3A_509] {strides = array<i32>} : memref<80x64xf32, #tpu.memory_space<vmem>>, vector<16xf32>,
        %mul3A_511 = arith.mulf %get3A_510, %gather3A_507 : vector<16xf32>
        %swap3A_512 = arith.index_cast %add3A_503 : i32 to index
        %swap3A_513 = arith.constant 0 : index
        %swap3A_514 = tpu.vector_load %arg12[%swap3A_512, %swap3A_513] {strides = array<i32>} : memref<80x64xf32, #tpu.memory_space<vmem>>, vector<16xf32>,
        tpu.vector_store %arg12[%swap3A_512, %swap3A_513], %mul3A_511 {strides = array<i32>} : memref<80x64xf32, #tpu.memory_space<vmem>>, vector<16xf32>,
        %get3A_515 = arith.index_cast %add3A_503 : i32 to index
        %get3A_516 = arith.constant 16 : index
        %get3A_517 = tpu.vector_load %arg12[%get3A_515, %get3A_516] {strides = array<i32>} : memref<80x64xf32, #tpu.memory_space<vmem>>, vector<16xf32>,
        %mul3A_518 = arith.mulf %get3A_517, %gather3A_507 : vector<16xf32>
        %swap3A_519 = arith.index_cast %add3A_503 : i32 to index
        %swap3A_520 = arith.constant 16 : index
        %swap3A_521 = tpu.vector_load %arg12[%swap3A_519, %swap3A_520] {strides = array<i32>} : memref<80x64xf32, #tpu.memory_space<vmem>>, vector<16xf32>,
        tpu.vector_store %arg12[%swap3A_519, %swap3A_520], %mul3A_518 {strides = array<i32>} : memref<80x64xf32, #tpu.memory_space<vmem>>, vector<16xf32>,
        %get3A_522 = arith.index_cast %add3A_503 : i32 to index
        %get3A_523 = arith.constant 32 : index
        %get3A_524 = tpu.vector_load %arg12[%get3A_522, %get3A_523] {strides = array<i32>} : memref<80x64xf32, #tpu.memory_space<vmem>>, vector<16xf32>,
        %mul3A_525 = arith.mulf %get3A_524, %gather3A_507 : vector<16xf32>
        %swap3A_526 = arith.index_cast %add3A_503 : i32 to index
        %swap3A_527 = arith.constant 32 : index
        %swap3A_528 = tpu.vector_load %arg12[%swap3A_526, %swap3A_527] {strides = array<i32>} : memref<80x64xf32, #tpu.memory_space<vmem>>, vector<16xf32>,
        tpu.vector_store %arg12[%swap3A_526, %swap3A_527], %mul3A_525 {strides = array<i32>} : memref<80x64xf32, #tpu.memory_space<vmem>>, vector<16xf32>,
        %get3A_529 = arith.index_cast %add3A_503 : i32 to index
        %get3A_530 = arith.constant 48 : index
        %get3A_531 = tpu.vector_load %arg12[%get3A_529, %get3A_530] {strides = array<i32>} : memref<80x64xf32, #tpu.memory_space<vmem>>, vector<16xf32>,
        %mul3A_532 = arith.mulf %get3A_531, %gather3A_507 : vector<16xf32>
        %swap3A_533 = arith.index_cast %add3A_503 : i32 to index
        %swap3A_534 = arith.constant 48 : index
        %swap3A_535 = tpu.vector_load %arg12[%swap3A_533, %swap3A_534] {strides = array<i32>} : memref<80x64xf32, #tpu.memory_space<vmem>>, vector<16xf32>,
        tpu.vector_store %arg12[%swap3A_533, %swap3A_534], %mul3A_532 {strides = array<i32>} : memref<80x64xf32, #tpu.memory_space<vmem>>, vector<16xf32>,
        %mul3A_536 = arith.constant 16 : i32
        %mul3A_537 = arith.muli %add3A_115, %mul3A_536 : i32
        %add3A_538 = arith.constant 11 : i32
        %add3A_539 = arith.addi %mul3A_537, %add3A_538 : i32
        %broadcast_in_dim3A_540 = arith.constant 11 : i32
        %broadcast_in_dim3A_541 = vector.broadcast %broadcast_in_dim3A_540 : i32 to vector<16x1xi32>
        %gather3A_542 = vector.shape_cast %broadcast_in_dim3A_541 : vector<16x1xi32> to vector<16xi32>
        %gather3A_543 = tpu.dynamic_gather %mul3A_140[%gather3A_542] in [0] : vector<16xf32>, vector<16xi32> -> vector<16xf32>
        %get3A_544 = arith.index_cast %add3A_539 : i32 to index
        %get3A_545 = arith.constant 0 : index
        %get3A_546 = tpu.vector_load %arg12[%get3A_544, %get3A_545] {strides = array<i32>} : memref<80x64xf32, #tpu.memory_space<vmem>>, vector<16xf32>,
        %mul3A_547 = arith.mulf %get3A_546, %gather3A_543 : vector<16xf32>
        %swap3A_548 = arith.index_cast %add3A_539 : i32 to index
        %swap3A_549 = arith.constant 0 : index
        %swap3A_550 = tpu.vector_load %arg12[%swap3A_548, %swap3A_549] {strides = array<i32>} : memref<80x64xf32, #tpu.memory_space<vmem>>, vector<16xf32>,
        tpu.vector_store %arg12[%swap3A_548, %swap3A_549], %mul3A_547 {strides = array<i32>} : memref<80x64xf32, #tpu.memory_space<vmem>>, vector<16xf32>,
        %get3A_551 = arith.index_cast %add3A_539 : i32 to index
        %get3A_552 = arith.constant 16 : index
        %get3A_553 = tpu.vector_load %arg12[%get3A_551, %get3A_552] {strides = array<i32>} : memref<80x64xf32, #tpu.memory_space<vmem>>, vector<16xf32>,
        %mul3A_554 = arith.mulf %get3A_553, %gather3A_543 : vector<16xf32>
        %swap3A_555 = arith.index_cast %add3A_539 : i32 to index
        %swap3A_556 = arith.constant 16 : index
        %swap3A_557 = tpu.vector_load %arg12[%swap3A_555, %swap3A_556] {strides = array<i32>} : memref<80x64xf32, #tpu.memory_space<vmem>>, vector<16xf32>,
        tpu.vector_store %arg12[%swap3A_555, %swap3A_556], %mul3A_554 {strides = array<i32>} : memref<80x64xf32, #tpu.memory_space<vmem>>, vector<16xf32>,
        %get3A_558 = arith.index_cast %add3A_539 : i32 to index
        %get3A_559 = arith.constant 32 : index
        %get3A_560 = tpu.vector_load %arg12[%get3A_558, %get3A_559] {strides = array<i32>} : memref<80x64xf32, #tpu.memory_space<vmem>>, vector<16xf32>,
        %mul3A_561 = arith.mulf %get3A_560, %gather3A_543 : vector<16xf32>
        %swap3A_562 = arith.index_cast %add3A_539 : i32 to index
        %swap3A_563 = arith.constant 32 : index
        %swap3A_564 = tpu.vector_load %arg12[%swap3A_562, %swap3A_563] {strides = array<i32>} : memref<80x64xf32, #tpu.memory_space<vmem>>, vector<16xf32>,
        tpu.vector_store %arg12[%swap3A_562, %swap3A_563], %mul3A_561 {strides = array<i32>} : memref<80x64xf32, #tpu.memory_space<vmem>>, vector<16xf32>,
        %get3A_565 = arith.index_cast %add3A_539 : i32 to index
        %get3A_566 = arith.constant 48 : index
        %get3A_567 = tpu.vector_load %arg12[%get3A_565, %get3A_566] {strides = array<i32>} : memref<80x64xf32, #tpu.memory_space<vmem>>, vector<16xf32>,
        %mul3A_568 = arith.mulf %get3A_567, %gather3A_543 : vector<16xf32>
        %swap3A_569 = arith.index_cast %add3A_539 : i32 to index
        %swap3A_570 = arith.constant 48 : index
        %swap3A_571 = tpu.vector_load %arg12[%swap3A_569, %swap3A_570] {strides = array<i32>} : memref<80x64xf32, #tpu.memory_space<vmem>>, vector<16xf32>,
        tpu.vector_store %arg12[%swap3A_569, %swap3A_570], %mul3A_568 {strides = array<i32>} : memref<80x64xf32, #tpu.memory_space<vmem>>, vector<16xf32>,
        %mul3A_572 = arith.constant 16 : i32
        %mul3A_573 = arith.muli %add3A_115, %mul3A_572 : i32
        %add3A_574 = arith.constant 12 : i32
        %add3A_575 = arith.addi %mul3A_573, %add3A_574 : i32
        %broadcast_in_dim3A_576 = arith.constant 12 : i32
        %broadcast_in_dim3A_577 = vector.broadcast %broadcast_in_dim3A_576 : i32 to vector<16x1xi32>
        %gather3A_578 = vector.shape_cast %broadcast_in_dim3A_577 : vector<16x1xi32> to vector<16xi32>
        %gather3A_579 = tpu.dynamic_gather %mul3A_140[%gather3A_578] in [0] : vector<16xf32>, vector<16xi32> -> vector<16xf32>
        %get3A_580 = arith.index_cast %add3A_575 : i32 to index
        %get3A_581 = arith.constant 0 : index
        %get3A_582 = tpu.vector_load %arg12[%get3A_580, %get3A_581] {strides = array<i32>} : memref<80x64xf32, #tpu.memory_space<vmem>>, vector<16xf32>,
        %mul3A_583 = arith.mulf %get3A_582, %gather3A_579 : vector<16xf32>
        %swap3A_584 = arith.index_cast %add3A_575 : i32 to index
        %swap3A_585 = arith.constant 0 : index
        %swap3A_586 = tpu.vector_load %arg12[%swap3A_584, %swap3A_585] {strides = array<i32>} : memref<80x64xf32, #tpu.memory_space<vmem>>, vector<16xf32>,
        tpu.vector_store %arg12[%swap3A_584, %swap3A_585], %mul3A_583 {strides = array<i32>} : memref<80x64xf32, #tpu.memory_space<vmem>>, vector<16xf32>,
        %get3A_587 = arith.index_cast %add3A_575 : i32 to index
        %get3A_588 = arith.constant 16 : index
        %get3A_589 = tpu.vector_load %arg12[%get3A_587, %get3A_588] {strides = array<i32>} : memref<80x64xf32, #tpu.memory_space<vmem>>, vector<16xf32>,
        %mul3A_590 = arith.mulf %get3A_589, %gather3A_579 : vector<16xf32>
        %swap3A_591 = arith.index_cast %add3A_575 : i32 to index
        %swap3A_592 = arith.constant 16 : index
        %swap3A_593 = tpu.vector_load %arg12[%swap3A_591, %swap3A_592] {strides = array<i32>} : memref<80x64xf32, #tpu.memory_space<vmem>>, vector<16xf32>,
        tpu.vector_store %arg12[%swap3A_591, %swap3A_592], %mul3A_590 {strides = array<i32>} : memref<80x64xf32, #tpu.memory_space<vmem>>, vector<16xf32>,
        %get3A_594 = arith.index_cast %add3A_575 : i32 to index
        %get3A_595 = arith.constant 32 : index
        %get3A_596 = tpu.vector_load %arg12[%get3A_594, %get3A_595] {strides = array<i32>} : memref<80x64xf32, #tpu.memory_space<vmem>>, vector<16xf32>,
        %mul3A_597 = arith.mulf %get3A_596, %gather3A_579 : vector<16xf32>
        %swap3A_598 = arith.index_cast %add3A_575 : i32 to index
        %swap3A_599 = arith.constant 32 : index
        %swap3A_600 = tpu.vector_load %arg12[%swap3A_598, %swap3A_599] {strides = array<i32>} : memref<80x64xf32, #tpu.memory_space<vmem>>, vector<16xf32>,
        tpu.vector_store %arg12[%swap3A_598, %swap3A_599], %mul3A_597 {strides = array<i32>} : memref<80x64xf32, #tpu.memory_space<vmem>>, vector<16xf32>,
        %get3A_601 = arith.index_cast %add3A_575 : i32 to index
        %get3A_602 = arith.constant 48 : index
        %get3A_603 = tpu.vector_load %arg12[%get3A_601, %get3A_602] {strides = array<i32>} : memref<80x64xf32, #tpu.memory_space<vmem>>, vector<16xf32>,
        %mul3A_604 = arith.mulf %get3A_603, %gather3A_579 : vector<16xf32>
        %swap3A_605 = arith.index_cast %add3A_575 : i32 to index
        %swap3A_606 = arith.constant 48 : index
        %swap3A_607 = tpu.vector_load %arg12[%swap3A_605, %swap3A_606] {strides = array<i32>} : memref<80x64xf32, #tpu.memory_space<vmem>>, vector<16xf32>,
        tpu.vector_store %arg12[%swap3A_605, %swap3A_606], %mul3A_604 {strides = array<i32>} : memref<80x64xf32, #tpu.memory_space<vmem>>, vector<16xf32>,
        %mul3A_608 = arith.constant 16 : i32
        %mul3A_609 = arith.muli %add3A_115, %mul3A_608 : i32
        %add3A_610 = arith.constant 13 : i32
        %add3A_611 = arith.addi %mul3A_609, %add3A_610 : i32
        %broadcast_in_dim3A_612 = arith.constant 13 : i32
        %broadcast_in_dim3A_613 = vector.broadcast %broadcast_in_dim3A_612 : i32 to vector<16x1xi32>
        %gather3A_614 = vector.shape_cast %broadcast_in_dim3A_613 : vector<16x1xi32> to vector<16xi32>
        %gather3A_615 = tpu.dynamic_gather %mul3A_140[%gather3A_614] in [0] : vector<16xf32>, vector<16xi32> -> vector<16xf32>
        %get3A_616 = arith.index_cast %add3A_611 : i32 to index
        %get3A_617 = arith.constant 0 : index
        %get3A_618 = tpu.vector_load %arg12[%get3A_616, %get3A_617] {strides = array<i32>} : memref<80x64xf32, #tpu.memory_space<vmem>>, vector<16xf32>,
        %mul3A_619 = arith.mulf %get3A_618, %gather3A_615 : vector<16xf32>
        %swap3A_620 = arith.index_cast %add3A_611 : i32 to index
        %swap3A_621 = arith.constant 0 : index
        %swap3A_622 = tpu.vector_load %arg12[%swap3A_620, %swap3A_621] {strides = array<i32>} : memref<80x64xf32, #tpu.memory_space<vmem>>, vector<16xf32>,
        tpu.vector_store %arg12[%swap3A_620, %swap3A_621], %mul3A_619 {strides = array<i32>} : memref<80x64xf32, #tpu.memory_space<vmem>>, vector<16xf32>,
        %get3A_623 = arith.index_cast %add3A_611 : i32 to index
        %get3A_624 = arith.constant 16 : index
        %get3A_625 = tpu.vector_load %arg12[%get3A_623, %get3A_624] {strides = array<i32>} : memref<80x64xf32, #tpu.memory_space<vmem>>, vector<16xf32>,
        %mul3A_626 = arith.mulf %get3A_625, %gather3A_615 : vector<16xf32>
        %swap3A_627 = arith.index_cast %add3A_611 : i32 to index
        %swap3A_628 = arith.constant 16 : index
        %swap3A_629 = tpu.vector_load %arg12[%swap3A_627, %swap3A_628] {strides = array<i32>} : memref<80x64xf32, #tpu.memory_space<vmem>>, vector<16xf32>,
        tpu.vector_store %arg12[%swap3A_627, %swap3A_628], %mul3A_626 {strides = array<i32>} : memref<80x64xf32, #tpu.memory_space<vmem>>, vector<16xf32>,
        %get3A_630 = arith.index_cast %add3A_611 : i32 to index
        %get3A_631 = arith.constant 32 : index
        %get3A_632 = tpu.vector_load %arg12[%get3A_630, %get3A_631] {strides = array<i32>} : memref<80x64xf32, #tpu.memory_space<vmem>>, vector<16xf32>,
        %mul3A_633 = arith.mulf %get3A_632, %gather3A_615 : vector<16xf32>
        %swap3A_634 = arith.index_cast %add3A_611 : i32 to index
        %swap3A_635 = arith.constant 32 : index
        %swap3A_636 = tpu.vector_load %arg12[%swap3A_634, %swap3A_635] {strides = array<i32>} : memref<80x64xf32, #tpu.memory_space<vmem>>, vector<16xf32>,
        tpu.vector_store %arg12[%swap3A_634, %swap3A_635], %mul3A_633 {strides = array<i32>} : memref<80x64xf32, #tpu.memory_space<vmem>>, vector<16xf32>,
        %get3A_637 = arith.index_cast %add3A_611 : i32 to index
        %get3A_638 = arith.constant 48 : index
        %get3A_639 = tpu.vector_load %arg12[%get3A_637, %get3A_638] {strides = array<i32>} : memref<80x64xf32, #tpu.memory_space<vmem>>, vector<16xf32>,
        %mul3A_640 = arith.mulf %get3A_639, %gather3A_615 : vector<16xf32>
        %swap3A_641 = arith.index_cast %add3A_611 : i32 to index
        %swap3A_642 = arith.constant 48 : index
        %swap3A_643 = tpu.vector_load %arg12[%swap3A_641, %swap3A_642] {strides = array<i32>} : memref<80x64xf32, #tpu.memory_space<vmem>>, vector<16xf32>,
        tpu.vector_store %arg12[%swap3A_641, %swap3A_642], %mul3A_640 {strides = array<i32>} : memref<80x64xf32, #tpu.memory_space<vmem>>, vector<16xf32>,
        %mul3A_644 = arith.constant 16 : i32
        %mul3A_645 = arith.muli %add3A_115, %mul3A_644 : i32
        %add3A_646 = arith.constant 14 : i32
        %add3A_647 = arith.addi %mul3A_645, %add3A_646 : i32
        %broadcast_in_dim3A_648 = arith.constant 14 : i32
        %broadcast_in_dim3A_649 = vector.broadcast %broadcast_in_dim3A_648 : i32 to vector<16x1xi32>
        %gather3A_650 = vector.shape_cast %broadcast_in_dim3A_649 : vector<16x1xi32> to vector<16xi32>
        %gather3A_651 = tpu.dynamic_gather %mul3A_140[%gather3A_650] in [0] : vector<16xf32>, vector<16xi32> -> vector<16xf32>
        %get3A_652 = arith.index_cast %add3A_647 : i32 to index
        %get3A_653 = arith.constant 0 : index
        %get3A_654 = tpu.vector_load %arg12[%get3A_652, %get3A_653] {strides = array<i32>} : memref<80x64xf32, #tpu.memory_space<vmem>>, vector<16xf32>,
        %mul3A_655 = arith.mulf %get3A_654, %gather3A_651 : vector<16xf32>
        %swap3A_656 = arith.index_cast %add3A_647 : i32 to index
        %swap3A_657 = arith.constant 0 : index
        %swap3A_658 = tpu.vector_load %arg12[%swap3A_656, %swap3A_657] {strides = array<i32>} : memref<80x64xf32, #tpu.memory_space<vmem>>, vector<16xf32>,
        tpu.vector_store %arg12[%swap3A_656, %swap3A_657], %mul3A_655 {strides = array<i32>} : memref<80x64xf32, #tpu.memory_space<vmem>>, vector<16xf32>,
        %get3A_659 = arith.index_cast %add3A_647 : i32 to index
        %get3A_660 = arith.constant 16 : index
        %get3A_661 = tpu.vector_load %arg12[%get3A_659, %get3A_660] {strides = array<i32>} : memref<80x64xf32, #tpu.memory_space<vmem>>, vector<16xf32>,
        %mul3A_662 = arith.mulf %get3A_661, %gather3A_651 : vector<16xf32>
        %swap3A_663 = arith.index_cast %add3A_647 : i32 to index
        %swap3A_664 = arith.constant 16 : index
        %swap3A_665 = tpu.vector_load %arg12[%swap3A_663, %swap3A_664] {strides = array<i32>} : memref<80x64xf32, #tpu.memory_space<vmem>>, vector<16xf32>,
        tpu.vector_store %arg12[%swap3A_663, %swap3A_664], %mul3A_662 {strides = array<i32>} : memref<80x64xf32, #tpu.memory_space<vmem>>, vector<16xf32>,
        %get3A_666 = arith.index_cast %add3A_647 : i32 to index
        %get3A_667 = arith.constant 32 : index
        %get3A_668 = tpu.vector_load %arg12[%get3A_666, %get3A_667] {strides = array<i32>} : memref<80x64xf32, #tpu.memory_space<vmem>>, vector<16xf32>,
        %mul3A_669 = arith.mulf %get3A_668, %gather3A_651 : vector<16xf32>
        %swap3A_670 = arith.index_cast %add3A_647 : i32 to index
        %swap3A_671 = arith.constant 32 : index
        %swap3A_672 = tpu.vector_load %arg12[%swap3A_670, %swap3A_671] {strides = array<i32>} : memref<80x64xf32, #tpu.memory_space<vmem>>, vector<16xf32>,
        tpu.vector_store %arg12[%swap3A_670, %swap3A_671], %mul3A_669 {strides = array<i32>} : memref<80x64xf32, #tpu.memory_space<vmem>>, vector<16xf32>,
        %get3A_673 = arith.index_cast %add3A_647 : i32 to index
        %get3A_674 = arith.constant 48 : index
        %get3A_675 = tpu.vector_load %arg12[%get3A_673, %get3A_674] {strides = array<i32>} : memref<80x64xf32, #tpu.memory_space<vmem>>, vector<16xf32>,
        %mul3A_676 = arith.mulf %get3A_675, %gather3A_651 : vector<16xf32>
        %swap3A_677 = arith.index_cast %add3A_647 : i32 to index
        %swap3A_678 = arith.constant 48 : index
        %swap3A_679 = tpu.vector_load %arg12[%swap3A_677, %swap3A_678] {strides = array<i32>} : memref<80x64xf32, #tpu.memory_space<vmem>>, vector<16xf32>,
        tpu.vector_store %arg12[%swap3A_677, %swap3A_678], %mul3A_676 {strides = array<i32>} : memref<80x64xf32, #tpu.memory_space<vmem>>, vector<16xf32>,
        %mul3A_680 = arith.constant 16 : i32
        %mul3A_681 = arith.muli %add3A_115, %mul3A_680 : i32
        %add3A_682 = arith.constant 15 : i32
        %add3A_683 = arith.addi %mul3A_681, %add3A_682 : i32
        %broadcast_in_dim3A_684 = arith.constant 15 : i32
        %broadcast_in_dim3A_685 = vector.broadcast %broadcast_in_dim3A_684 : i32 to vector<16x1xi32>
        %gather3A_686 = vector.shape_cast %broadcast_in_dim3A_685 : vector<16x1xi32> to vector<16xi32>
        %gather3A_687 = tpu.dynamic_gather %mul3A_140[%gather3A_686] in [0] : vector<16xf32>, vector<16xi32> -> vector<16xf32>
        %get3A_688 = arith.index_cast %add3A_683 : i32 to index
        %get3A_689 = arith.constant 0 : index
        %get3A_690 = tpu.vector_load %arg12[%get3A_688, %get3A_689] {strides = array<i32>} : memref<80x64xf32, #tpu.memory_space<vmem>>, vector<16xf32>,
        %mul3A_691 = arith.mulf %get3A_690, %gather3A_687 : vector<16xf32>
        %swap3A_692 = arith.index_cast %add3A_683 : i32 to index
        %swap3A_693 = arith.constant 0 : index
        %swap3A_694 = tpu.vector_load %arg12[%swap3A_692, %swap3A_693] {strides = array<i32>} : memref<80x64xf32, #tpu.memory_space<vmem>>, vector<16xf32>,
        tpu.vector_store %arg12[%swap3A_692, %swap3A_693], %mul3A_691 {strides = array<i32>} : memref<80x64xf32, #tpu.memory_space<vmem>>, vector<16xf32>,
        %get3A_695 = arith.index_cast %add3A_683 : i32 to index
        %get3A_696 = arith.constant 16 : index
        %get3A_697 = tpu.vector_load %arg12[%get3A_695, %get3A_696] {strides = array<i32>} : memref<80x64xf32, #tpu.memory_space<vmem>>, vector<16xf32>,
        %mul3A_698 = arith.mulf %get3A_697, %gather3A_687 : vector<16xf32>
        %swap3A_699 = arith.index_cast %add3A_683 : i32 to index
        %swap3A_700 = arith.constant 16 : index
        %swap3A_701 = tpu.vector_load %arg12[%swap3A_699, %swap3A_700] {strides = array<i32>} : memref<80x64xf32, #tpu.memory_space<vmem>>, vector<16xf32>,
        tpu.vector_store %arg12[%swap3A_699, %swap3A_700], %mul3A_698 {strides = array<i32>} : memref<80x64xf32, #tpu.memory_space<vmem>>, vector<16xf32>,
        %get3A_702 = arith.index_cast %add3A_683 : i32 to index
        %get3A_703 = arith.constant 32 : index
        %get3A_704 = tpu.vector_load %arg12[%get3A_702, %get3A_703] {strides = array<i32>} : memref<80x64xf32, #tpu.memory_space<vmem>>, vector<16xf32>,
        %mul3A_705 = arith.mulf %get3A_704, %gather3A_687 : vector<16xf32>
        %swap3A_706 = arith.index_cast %add3A_683 : i32 to index
        %swap3A_707 = arith.constant 32 : index
        %swap3A_708 = tpu.vector_load %arg12[%swap3A_706, %swap3A_707] {strides = array<i32>} : memref<80x64xf32, #tpu.memory_space<vmem>>, vector<16xf32>,
        tpu.vector_store %arg12[%swap3A_706, %swap3A_707], %mul3A_705 {strides = array<i32>} : memref<80x64xf32, #tpu.memory_space<vmem>>, vector<16xf32>,
        %get3A_709 = arith.index_cast %add3A_683 : i32 to index
        %get3A_710 = arith.constant 48 : index
        %get3A_711 = tpu.vector_load %arg12[%get3A_709, %get3A_710] {strides = array<i32>} : memref<80x64xf32, #tpu.memory_space<vmem>>, vector<16xf32>,
        %mul3A_712 = arith.mulf %get3A_711, %gather3A_687 : vector<16xf32>
        %swap3A_713 = arith.index_cast %add3A_683 : i32 to index
        %swap3A_714 = arith.constant 48 : index
        %swap3A_715 = tpu.vector_load %arg12[%swap3A_713, %swap3A_714] {strides = array<i32>} : memref<80x64xf32, #tpu.memory_space<vmem>>, vector<16xf32>,
        tpu.vector_store %arg12[%swap3A_713, %swap3A_714], %mul3A_712 {strides = array<i32>} : memref<80x64xf32, #tpu.memory_space<vmem>>, vector<16xf32>,
      }
      %scan3A_110 = arith.constant 5 : i32
      "tpu.region"() ({
        %run_scoped3A_111 = tpu.sem_alloc : memref<!tpu.dma_semaphore, #tpu.memory_space<semaphore_mem>>
        %dma_start3A_112 = arith.constant 0 : i32
        %dma_start3A_113 = arith.constant 0 : i32
        %dma_start3A_114 = tpu.memref_slice %arg21[%dma_start3A_112, %dma_start3A_113] : memref<10240x64xf32, #tpu.memory_space<vmem_shared>> -> memref<10240x64xf32, #tpu.memory_space<vmem_shared>>
        tpu.enqueue_indirect_dma source(%arg12 : memref<80x64xf32, #tpu.memory_space<vmem>>) target(%dma_start3A_114 : memref<10240x64xf32, #tpu.memory_space<vmem_shared>>) offsets(%arg15 : memref<80xi32, #tpu.memory_space<vmem>>) semaphore(%run_scoped3A_111 : memref<!tpu.dma_semaphore, #tpu.memory_space<semaphore_mem>>) {add = true}
        %dma_wait3A_115 = arith.constant 0 : i32
        %dma_wait3A_116 = arith.constant 0 : i32
        %dma_wait3A_117 = tpu.memref_slice %arg21[%dma_wait3A_115, %dma_wait3A_116] : memref<10240x64xf32, #tpu.memory_space<vmem_shared>> -> memref<10240x64xf32, #tpu.memory_space<vmem_shared>>
        tpu.wait_indirect_dma semaphore(%run_scoped3A_111 : memref<!tpu.dma_semaphore, #tpu.memory_space<semaphore_mem>>) src(%arg12 : memref<80x64xf32, #tpu.memory_space<vmem>>) dst(%dma_wait3A_117 : memref<10240x64xf32, #tpu.memory_space<vmem_shared>>)
        tpu.yield
      }) : () -> ()
    }
    %scan3A_75 = arith.constant 250 : i32
    %barrier3A_76 = arith.constant 0 : index
    tpu.barrier barrier_id(%barrier3A_76)
    %lt3A = arith.constant 15 : i32
    %lt3A_77 = arith.cmpi slt, %arg1, %lt3A : i32
    %convert_element_type3A_78 = arith.extui %lt3A_77 : i1 to i32
    %cond3A_79 = arith.constant 0 : i32
    %cond3A_80 = arith.cmpi ne, %convert_element_type3A_78, %cond3A_79 : i32
    scf.if %cond3A_80 {
      %mul3A_86 = arith.constant 640 : i32
      %mul3A_87 = arith.muli %arg1, %mul3A_86 : i32
      %mul3A_88 = arith.constant 640 : i32
      %mul3A_89 = arith.muli %arg1, %mul3A_88 : i32
      "tpu.region"() ({
        %run_scoped3A_90 = tpu.sem_alloc : memref<!tpu.dma_semaphore, #tpu.memory_space<semaphore_mem>>
        %dma_start3A = arith.constant 0 : i32
        %dma_start3A_91 = arith.constant 0 : i32
        %dma_start3A_92 = tpu.memref_slice %arg7[%arg0, %dma_start3A, %dma_start3A_91] : memref<2x10000x64xf32, #tpu.memory_space<hbm>> -> memref<1x10000x64xf32, #tpu.memory_space<hbm>>
        %dma_start3A_93 = tpu.memref_squeeze %dma_start3A_92 : memref<1x10000x64xf32, #tpu.memory_space<hbm>> -> memref<10000x64xf32, #tpu.memory_space<hbm>>
        %dma_start3A_94 = arith.constant 0 : i32
        %dma_start3A_95 = tpu.memref_slice %dma_start3A_93[%mul3A_89, %dma_start3A_94] : memref<10000x64xf32, #tpu.memory_space<hbm>> -> memref<640x64xf32, #tpu.memory_space<hbm>>
        %dma_start3A_96 = arith.constant 0 : i32
        %dma_start3A_97 = tpu.memref_slice %arg21[%mul3A_87, %dma_start3A_96] : memref<10240x64xf32, #tpu.memory_space<vmem_shared>> -> memref<640x64xf32, #tpu.memory_space<vmem_shared>>
        tpu.enqueue_dma source(%dma_start3A_97 : memref<640x64xf32, #tpu.memory_space<vmem_shared>>) target(%dma_start3A_95 : memref<640x64xf32, #tpu.memory_space<hbm>>) target_semaphore(%run_scoped3A_90 : memref<!tpu.dma_semaphore, #tpu.memory_space<semaphore_mem>>)
        %dma_wait3A = arith.constant 0 : i32
        %dma_wait3A_98 = arith.constant 0 : i32
        %dma_wait3A_99 = tpu.memref_slice %arg7[%arg0, %dma_wait3A, %dma_wait3A_98] : memref<2x10000x64xf32, #tpu.memory_space<hbm>> -> memref<1x10000x64xf32, #tpu.memory_space<hbm>>
        %dma_wait3A_100 = tpu.memref_squeeze %dma_wait3A_99 : memref<1x10000x64xf32, #tpu.memory_space<hbm>> -> memref<10000x64xf32, #tpu.memory_space<hbm>>
        %dma_wait3A_101 = arith.constant 0 : i32
        %dma_wait3A_102 = tpu.memref_slice %dma_wait3A_100[%mul3A_89, %dma_wait3A_101] : memref<10000x64xf32, #tpu.memory_space<hbm>> -> memref<640x64xf32, #tpu.memory_space<hbm>>
        %dma_wait3A_103 = arith.constant 0 : i32
        %dma_wait3A_104 = tpu.memref_slice %arg21[%mul3A_87, %dma_wait3A_103] : memref<10240x64xf32, #tpu.memory_space<vmem_shared>> -> memref<640x64xf32, #tpu.memory_space<vmem_shared>>
        tpu.wait_dma2 semaphore(%run_scoped3A_90 : memref<!tpu.dma_semaphore, #tpu.memory_space<semaphore_mem>>) src(%dma_wait3A_104 : memref<640x64xf32, #tpu.memory_space<vmem_shared>>) dst(%dma_wait3A_102 : memref<640x64xf32, #tpu.memory_space<hbm>>)
        tpu.yield
      }) : () -> ()
    } else {
    }
    %eq3A_81 = arith.constant 15 : i32
    %eq3A_82 = arith.cmpi eq, %arg1, %eq3A_81 : i32
    %convert_element_type3A_83 = arith.extui %eq3A_82 : i1 to i32
    %cond3A_84 = arith.constant 0 : i32
    %cond3A_85 = arith.cmpi ne, %convert_element_type3A_83, %cond3A_84 : i32
    scf.if %cond3A_85 {
      "tpu.region"() ({
        %run_scoped3A_86 = tpu.sem_alloc : memref<!tpu.dma_semaphore, #tpu.memory_space<semaphore_mem>>
        %dma_start3A = arith.constant 0 : i32
        %dma_start3A_87 = arith.constant 0 : i32
        %dma_start3A_88 = tpu.memref_slice %arg7[%arg0, %dma_start3A, %dma_start3A_87] : memref<2x10000x64xf32, #tpu.memory_space<hbm>> -> memref<1x10000x64xf32, #tpu.memory_space<hbm>>
        %dma_start3A_89 = tpu.memref_squeeze %dma_start3A_88 : memref<1x10000x64xf32, #tpu.memory_space<hbm>> -> memref<10000x64xf32, #tpu.memory_space<hbm>>
        %dma_start3A_90 = arith.constant 9600 : i32
        %dma_start3A_91 = arith.constant 0 : i32
        %dma_start3A_92 = tpu.memref_slice %dma_start3A_89[%dma_start3A_90, %dma_start3A_91] : memref<10000x64xf32, #tpu.memory_space<hbm>> -> memref<400x64xf32, #tpu.memory_space<hbm>>
        %dma_start3A_93 = arith.constant 9600 : i32
        %dma_start3A_94 = arith.constant 0 : i32
        %dma_start3A_95 = tpu.memref_slice %arg21[%dma_start3A_93, %dma_start3A_94] : memref<10240x64xf32, #tpu.memory_space<vmem_shared>> -> memref<400x64xf32, #tpu.memory_space<vmem_shared>>
        tpu.enqueue_dma source(%dma_start3A_95 : memref<400x64xf32, #tpu.memory_space<vmem_shared>>) target(%dma_start3A_92 : memref<400x64xf32, #tpu.memory_space<hbm>>) target_semaphore(%run_scoped3A_86 : memref<!tpu.dma_semaphore, #tpu.memory_space<semaphore_mem>>)
        %dma_wait3A = arith.constant 0 : i32
        %dma_wait3A_96 = arith.constant 0 : i32
        %dma_wait3A_97 = tpu.memref_slice %arg7[%arg0, %dma_wait3A, %dma_wait3A_96] : memref<2x10000x64xf32, #tpu.memory_space<hbm>> -> memref<1x10000x64xf32, #tpu.memory_space<hbm>>
        %dma_wait3A_98 = tpu.memref_squeeze %dma_wait3A_97 : memref<1x10000x64xf32, #tpu.memory_space<hbm>> -> memref<10000x64xf32, #tpu.memory_space<hbm>>
        %dma_wait3A_99 = arith.constant 9600 : i32
        %dma_wait3A_100 = arith.constant 0 : i32
        %dma_wait3A_101 = tpu.memref_slice %dma_wait3A_98[%dma_wait3A_99, %dma_wait3A_100] : memref<10000x64xf32, #tpu.memory_space<hbm>> -> memref<400x64xf32, #tpu.memory_space<hbm>>
        %dma_wait3A_102 = arith.constant 9600 : i32
        %dma_wait3A_103 = arith.constant 0 : i32
        %dma_wait3A_104 = tpu.memref_slice %arg21[%dma_wait3A_102, %dma_wait3A_103] : memref<10240x64xf32, #tpu.memory_space<vmem_shared>> -> memref<400x64xf32, #tpu.memory_space<vmem_shared>>
        tpu.wait_dma2 semaphore(%run_scoped3A_86 : memref<!tpu.dma_semaphore, #tpu.memory_space<semaphore_mem>>) src(%dma_wait3A_104 : memref<400x64xf32, #tpu.memory_space<vmem_shared>>) dst(%dma_wait3A_101 : memref<400x64xf32, #tpu.memory_space<hbm>>)
        tpu.yield
      }) : () -> ()
    } else {
    }
    return
  }
}

module attributes {stable_mosaic.version = 14 : i64} {
  func.func @_t1_body(%arg0: i32, %arg1: memref<1000x128xf32, #tpu.memory_space<vmem>>, %arg2: memref<1x128xf32, #tpu.memory_space<vmem>>, %arg3: memref<1x128xf32, #tpu.memory_space<vmem>>, %arg4: memref<1x128xf32, #tpu.memory_space<vmem>>, %arg5: memref<1x128xf32, #tpu.memory_space<vmem>>, %arg6: memref<128x128xf32, #tpu.memory_space<vmem>>, %arg7: memref<1000x128xf32, #tpu.memory_space<vmem>>) attributes {dimension_semantics = [#tpu.dimension_semantics<arbitrary>], iteration_bounds = array<i64: 10>, scalar_prefetch = 0 : i64, scratch_operands = 0 : i64, tpu.core_type = #tpu.core_type<tc>, window_params = [{transform_indices = @transform_0, window_bounds = array<i64: 1000, 128>}, {pipeline_mode = #tpu.pipeline_mode<synchronous>, transform_indices = @transform_1, window_bounds = array<i64: 1, 128>}, {pipeline_mode = #tpu.pipeline_mode<synchronous>, transform_indices = @transform_2, window_bounds = array<i64: 1, 128>}, {pipeline_mode = #tpu.pipeline_mode<synchronous>, transform_indices = @transform_3, window_bounds = array<i64: 1, 128>}, {pipeline_mode = #tpu.pipeline_mode<synchronous>, transform_indices = @transform_4, window_bounds = array<i64: 1, 128>}, {pipeline_mode = #tpu.pipeline_mode<synchronous>, transform_indices = @transform_5, window_bounds = array<i64: 128, 128>}, {transform_indices = @transform_6, window_bounds = array<i64: 1000, 128>}]} {
    %get3A = arith.constant 0 : index
    %get3A_0 = arith.constant 0 : index
    %get3A_1 = vector.load %arg2[%get3A, %get3A_0] : memref<1x128xf32, #tpu.memory_space<vmem>>, vector<1x128xf32>
    %get3A_2 = arith.constant 0 : index
    %get3A_3 = arith.constant 0 : index
    %get3A_4 = vector.load %arg5[%get3A_2, %get3A_3] : memref<1x128xf32, #tpu.memory_space<vmem>>, vector<1x128xf32>
    %add3A = arith.constant 9.99999974E-6 : f32
    %add3A_5 = vector.broadcast %add3A : f32 to vector<1x128xf32>
    %add3A_6 = arith.addf %get3A_4, %add3A_5 : vector<1x128xf32>
    %rsqrt3A = math.rsqrt %add3A_6 : vector<1x128xf32>
    %mul3A = arith.mulf %get3A_1, %rsqrt3A : vector<1x128xf32>
    %get3A_7 = arith.constant 0 : index
    %get3A_8 = arith.constant 0 : index
    %get3A_9 = vector.load %arg3[%get3A_7, %get3A_8] : memref<1x128xf32, #tpu.memory_space<vmem>>, vector<1x128xf32>
    %get3A_10 = arith.constant 0 : index
    %get3A_11 = arith.constant 0 : index
    %get3A_12 = vector.load %arg4[%get3A_10, %get3A_11] : memref<1x128xf32, #tpu.memory_space<vmem>>, vector<1x128xf32>
    %mul3A_13 = arith.mulf %get3A_12, %mul3A : vector<1x128xf32>
    %sub3A = arith.subf %get3A_9, %mul3A_13 : vector<1x128xf32>
    %get3A_14 = arith.constant 0 : index
    %get3A_15 = arith.constant 0 : index
    %get3A_16 = vector.load %arg1[%get3A_14, %get3A_15] : memref<1000x128xf32, #tpu.memory_space<vmem>>, vector<1000x128xf32>
    %mul3A_17 = vector.broadcast %mul3A : vector<1x128xf32> to vector<1000x128xf32>
    %mul3A_18 = arith.mulf %get3A_16, %mul3A_17 : vector<1000x128xf32>
    %add3A_19 = vector.broadcast %sub3A : vector<1x128xf32> to vector<1000x128xf32>
    %add3A_20 = arith.addf %mul3A_18, %add3A_19 : vector<1000x128xf32>
    %get3A_21 = arith.constant 0 : index
    %get3A_22 = arith.constant 0 : index
    %get3A_23 = vector.load %arg6[%get3A_21, %get3A_22] : memref<128x128xf32, #tpu.memory_space<vmem>>, vector<128x128xf32>
    %dot_general3A = arith.constant dense<0.000000e+00> : vector<1000x128xf32>
    %dot_general3A_24 = tpu.matmul %add3A_20, %get3A_23, %dot_general3A {dimension_numbers = #tpu.dot_dimension_numbers<[1], [0], [0], [1], [0, 0, 1, 1], [], []>, transpose_lhs_hint = false} : vector<1000x128xf32>, vector<128x128xf32>, vector<1000x128xf32> -> vector<1000x128xf32>
    %swap3A = arith.constant 0 : index
    %swap3A_25 = arith.constant 0 : index
    %swap3A_26 = vector.load %arg7[%swap3A, %swap3A_25] : memref<1000x128xf32, #tpu.memory_space<vmem>>, vector<1000x128xf32>
    tpu.vector_store %arg7[%swap3A, %swap3A_25], %dot_general3A_24 {strides = array<i32>} : memref<1000x128xf32, #tpu.memory_space<vmem>>, vector<1000x128xf32>,
    return
  }
  func.func @transform_0(%arg0: i32) -> (i32, i32) {
    %c0_i32 = arith.constant 0 : i32
    %c0_i32_0 = arith.constant 0 : i32
    return %arg0, %c0_i32 : i32, i32
  }
  func.func @transform_1(%arg0: i32) -> (i32, i32) {
    %c0_i32 = arith.constant 0 : i32
    %c0_i32_0 = arith.constant 0 : i32
    %c0_i32_1 = arith.constant 0 : i32
    return %c0_i32, %c0_i32_0 : i32, i32
  }
  func.func @transform_2(%arg0: i32) -> (i32, i32) {
    %c0_i32 = arith.constant 0 : i32
    %c0_i32_0 = arith.constant 0 : i32
    %c0_i32_1 = arith.constant 0 : i32
    return %c0_i32, %c0_i32_0 : i32, i32
  }
  func.func @transform_3(%arg0: i32) -> (i32, i32) {
    %c0_i32 = arith.constant 0 : i32
    %c0_i32_0 = arith.constant 0 : i32
    %c0_i32_1 = arith.constant 0 : i32
    return %c0_i32, %c0_i32_0 : i32, i32
  }
  func.func @transform_4(%arg0: i32) -> (i32, i32) {
    %c0_i32 = arith.constant 0 : i32
    %c0_i32_0 = arith.constant 0 : i32
    %c0_i32_1 = arith.constant 0 : i32
    return %c0_i32, %c0_i32_0 : i32, i32
  }
  func.func @transform_5(%arg0: i32) -> (i32, i32) {
    %c0_i32 = arith.constant 0 : i32
    %c0_i32_0 = arith.constant 0 : i32
    %c0_i32_1 = arith.constant 0 : i32
    return %c0_i32, %c0_i32_0 : i32, i32
  }
  func.func @transform_6(%arg0: i32) -> (i32, i32) {
    %c0_i32 = arith.constant 0 : i32
    %c0_i32_0 = arith.constant 0 : i32
    return %arg0, %c0_i32 : i32, i32
  }
}

module attributes {stable_mosaic.version = 14 : i64} {
  func.func @_t2_body(%arg0: i32, %arg1: memref<1000x1024xf32, #tpu.memory_space<vmem>>, %arg2: memref<1000x64xf32, #tpu.memory_space<vmem>>, %arg3: memref<1000x64xf32, #tpu.memory_space<vmem>>, %arg4: memref<1000x128xf32, #tpu.memory_space<vmem>>, %arg5: memref<1000x1xf32, #tpu.memory_space<vmem>>, %arg6: memref<1x128xf32, #tpu.memory_space<vmem>>, %arg7: memref<1024x128xf32, #tpu.memory_space<vmem>>) attributes {dimension_semantics = [#tpu.dimension_semantics<arbitrary>], iteration_bounds = array<i64: 10>, scalar_prefetch = 0 : i64, scratch_operands = 0 : i64, tpu.core_type = #tpu.core_type<tc>, window_params = [{transform_indices = @transform_0, window_bounds = array<i64: 1000, 1024>}, {transform_indices = @transform_1, window_bounds = array<i64: 1000, 64>}, {transform_indices = @transform_2, window_bounds = array<i64: 1000, 64>}, {transform_indices = @transform_3, window_bounds = array<i64: 1000, 128>}, {transform_indices = @transform_4, window_bounds = array<i64: 1000, 1>}, {pipeline_mode = #tpu.pipeline_mode<synchronous>, transform_indices = @transform_5, window_bounds = array<i64: 1, 128>}, {pipeline_mode = #tpu.pipeline_mode<synchronous>, transform_indices = @transform_6, window_bounds = array<i64: 1024, 128>}]} {
    %eq3A = arith.constant 0 : i32
    %eq3A_0 = arith.cmpi eq, %arg0, %eq3A : i32
    %convert_element_type3A = arith.extui %eq3A_0 : i1 to i32
    %cond3A = arith.constant 0 : i32
    %cond3A_1 = arith.cmpi ne, %convert_element_type3A, %cond3A : i32
    scf.if %cond3A_1 {
      %broadcast_in_dim3A = arith.constant 0.000000e+00 : f32
      %broadcast_in_dim3A_30 = vector.broadcast %broadcast_in_dim3A : f32 to vector<1024x128xf32>
      %swap3A_31 = arith.constant 0 : index
      %swap3A_32 = arith.constant 0 : index
      %swap3A_33 = vector.load %arg7[%swap3A_31, %swap3A_32] : memref<1024x128xf32, #tpu.memory_space<vmem>>, vector<1024x128xf32>
      tpu.vector_store %arg7[%swap3A_31, %swap3A_32], %broadcast_in_dim3A_30 {strides = array<i32>} : memref<1024x128xf32, #tpu.memory_space<vmem>>, vector<1024x128xf32>,
    } else {
    }
    %get3A = arith.constant 0 : index
    %get3A_2 = arith.constant 0 : index
    %get3A_3 = vector.load %arg5[%get3A, %get3A_2] : memref<1000x1xf32, #tpu.memory_space<vmem>>, vector<1000x1xf32>
    %get3A_4 = arith.constant 0 : index
    %get3A_5 = arith.constant 0 : index
    %get3A_6 = vector.load %arg2[%get3A_4, %get3A_5] : memref<1000x64xf32, #tpu.memory_space<vmem>>, vector<1000x64xf32>
    %get3A_7 = arith.constant 0 : index
    %get3A_8 = arith.constant 0 : index
    %get3A_9 = vector.load %arg3[%get3A_7, %get3A_8] : memref<1000x64xf32, #tpu.memory_space<vmem>>, vector<1000x64xf32>
    %concatenate3A = tpu.concatenate %get3A_6, %get3A_9 in 1 : vector<1000x64xf32>, vector<1000x64xf32> -> vector<1000x128xf32>
    %mul3A = arith.mulf %get3A_3, %get3A_3 : vector<1000x1xf32>
    %get3A_10 = arith.constant 0 : index
    %get3A_11 = arith.constant 0 : index
    %get3A_12 = vector.load %arg4[%get3A_10, %get3A_11] : memref<1000x128xf32, #tpu.memory_space<vmem>>, vector<1000x128xf32>
    %mul3A_13 = vector.broadcast %mul3A : vector<1000x1xf32> to vector<1000x128xf32>
    %mul3A_14 = arith.mulf %mul3A_13, %get3A_12 : vector<1000x128xf32>
    %add3A = arith.addf %concatenate3A, %mul3A_14 : vector<1000x128xf32>
    %get3A_15 = arith.constant 0 : index
    %get3A_16 = arith.constant 0 : index
    %get3A_17 = vector.load %arg6[%get3A_15, %get3A_16] : memref<1x128xf32, #tpu.memory_space<vmem>>, vector<1x128xf32>
    %add3A_18 = vector.broadcast %get3A_17 : vector<1x128xf32> to vector<1000x128xf32>
    %add3A_19 = arith.addf %add3A, %add3A_18 : vector<1000x128xf32>
    %get3A_20 = arith.constant 0 : index
    %get3A_21 = arith.constant 0 : index
    %get3A_22 = vector.load %arg7[%get3A_20, %get3A_21] : memref<1024x128xf32, #tpu.memory_space<vmem>>, vector<1024x128xf32>
    %get3A_23 = arith.constant 0 : index
    %get3A_24 = arith.constant 0 : index
    %get3A_25 = vector.load %arg1[%get3A_23, %get3A_24] : memref<1000x1024xf32, #tpu.memory_space<vmem>>, vector<1000x1024xf32>
    %dot_general3A = arith.constant dense<0.000000e+00> : vector<1024x128xf32>
    %dot_general3A_26 = tpu.matmul %get3A_25, %add3A_19, %dot_general3A {dimension_numbers = #tpu.dot_dimension_numbers<[0], [0], [1], [1], [0, 1, 1, 1], [], []>, transpose_lhs_hint = false} : vector<1000x1024xf32>, vector<1000x128xf32>, vector<1024x128xf32> -> vector<1024x128xf32>
    %add3A_27 = arith.addf %get3A_22, %dot_general3A_26 : vector<1024x128xf32>
    %swap3A = arith.constant 0 : index
    %swap3A_28 = arith.constant 0 : index
    %swap3A_29 = vector.load %arg7[%swap3A, %swap3A_28] : memref<1024x128xf32, #tpu.memory_space<vmem>>, vector<1024x128xf32>
    tpu.vector_store %arg7[%swap3A, %swap3A_28], %add3A_27 {strides = array<i32>} : memref<1024x128xf32, #tpu.memory_space<vmem>>, vector<1024x128xf32>,
    return
  }
  func.func @transform_0(%arg0: i32) -> (i32, i32) {
    %c0_i32 = arith.constant 0 : i32
    %c0_i32_0 = arith.constant 0 : i32
    return %arg0, %c0_i32 : i32, i32
  }
  func.func @transform_1(%arg0: i32) -> (i32, i32) {
    %c0_i32 = arith.constant 0 : i32
    %c0_i32_0 = arith.constant 0 : i32
    return %arg0, %c0_i32 : i32, i32
  }
  func.func @transform_2(%arg0: i32) -> (i32, i32) {
    %c0_i32 = arith.constant 0 : i32
    %c0_i32_0 = arith.constant 0 : i32
    return %arg0, %c0_i32 : i32, i32
  }
  func.func @transform_3(%arg0: i32) -> (i32, i32) {
    %c0_i32 = arith.constant 0 : i32
    %c0_i32_0 = arith.constant 0 : i32
    return %arg0, %c0_i32 : i32, i32
  }
  func.func @transform_4(%arg0: i32) -> (i32, i32) {
    %c0_i32 = arith.constant 0 : i32
    %c0_i32_0 = arith.constant 0 : i32
    return %arg0, %c0_i32 : i32, i32
  }
  func.func @transform_5(%arg0: i32) -> (i32, i32) {
    %c0_i32 = arith.constant 0 : i32
    %c0_i32_0 = arith.constant 0 : i32
    %c0_i32_1 = arith.constant 0 : i32
    return %c0_i32, %c0_i32_0 : i32, i32
  }
  func.func @transform_6(%arg0: i32) -> (i32, i32) {
    %c0_i32 = arith.constant 0 : i32
    %c0_i32_0 = arith.constant 0 : i32
    %c0_i32_1 = arith.constant 0 : i32
    return %c0_i32, %c0_i32_0 : i32, i32
  }
}

</mosaic_0001>

<sc_bundles>
// kernel: kernel.5.cloned.1.call-start
scs
__scs_entry_jumppad:
0x0: {  	(pc) =	sbr.rel $0x88, $3  }
0x1: {  	(tag) =	ssettag $0x0;
	lr =	simm.s32 $0x1  }
0x2: {  	[smem:$0x3F97] =	sst lr;
	_ =	strace $0xD0000000  }
0x3: {  	_ = 	snop  }
0x4: {  	_ = 	snop  }
0x5: {  	_ = 	snop  }
0x6: {  	_ = 	snop  }
0x7: {  	_ = 	snop  }
__scs_overlays_trampoline_lowered:
0x8: {  	[smem:$0x3FA6] =	sst s0  }
0x9: {  	[smem:$0x3FA7] =	sst s1  }
0xa: {  	[smem:$0x3FA8] =	sst s2  }
0xb: {  	[smem:$0x3FA9] =	sst s3  }
0xc: {  	[smem:$0x3FAA] =	sst s4  }
0xd: {  	[smem:$0x3FAB] =	sst s5  }
0xe: {  	[smem:$0x3FAC] =	sst s6  }
0xf: {  	[smem:$0x3FAD] =	sst s7  }
0x10: {  	[smem:$0x3FAE] =	sst s8  }
0x11: {  	[smem:$0x3FAF] =	sst s9;
	s0 =	simm.s32 @!p0 $0x0  }
0x12: {  	s1 =	sld [smem:$0x3F95];
	s0 =	simm.s32 @p0 $0x1  }
0x13: {  	[smem:$0x3FB0] =	sst s0;
	s0 =	simm.s32 @!p1 $0x0  }
0x14: {  	s2 =	sld [smem:$0x3F94];
	s0 =	simm.s32 @p1 $0x1  }
0x15: {  	[smem:$0x3FB1] =	sst s0;
	s0 =	simm.s32 @!p2 $0x0  }
0x16: {  	s3 =	sld [smem:$0x3FDB];
	s0 =	simm.s32 @p2 $0x1  }
0x17: {  	s4 =	simm.s32 $0x1BF5;
	[smem:$0x3FB3] =	sst s0  }
0x18: {  	s0 =	sld [smem:$0x3F96];
	_ =	swait.ge [sflag:s4], $0x0  }
0x19: {  	s7 =	sld [smem:$0x3F97]  }
0x1a: {  	s8 =	sadd.s32 $0xFFFFE003, lr  }
0x1b: {  	s9 =	sadd.s32 $0xFFFFFEF7, lr;
	s5 =	simm.s32 $0xFFFFFFFF;
	p2 =	slt.u32 s8, $0xFFFFF086  }
0x1c: {  	p1 =	slt.u32 s9, $0xF7A;
	s5 =	simm.s32 @!p2 $0x0  }
0x1d: {  	s5 =	simm.s32 @p1 $0x1;
	p0 =	seq.s32 s7, s2  }
0x1e: {  	s7 =	smul.u32 @!p0 $0xF7A, s2;
	p2 =	seq.s32 @!p0 s5, $0x0  }
0x1f: {  	s9 =	smul.u32 $0xF7A, s1;
	s8 =	simm.s32 @!p0 $0x1BF5;
	p2 =	por !p2, p0  }
0x20: {  	[sflag:s8] =	ssyncset.s32 @!p0 $0xFFFFF086;
	s6 =	sadd.s32 @!p0 s3, s7;
	s7 =	simm.s32 @!p0 $0x108  }
0x21: {  	s3 =	sadd.s32 s3, s9;
	s6 =	sadd.s32 @!p0 $0x88, s6;
	s7 =	simm.s32 @p2 $0x1082  }
0x22: {  	[simem:s7], [sflag:s8] =	dma.local @!p0 [hbm:s6], $0xF7A  }
0x23: {  	s9 =	sor.u32 $0xD0000000, s2;
	s6 =	simm.s32 $0x108;
	_ =	swait.ge @!p0 [sflag:s8], $0x0  }
0x24: {  	s3 =	sadd.s32 $0x88, s3;
	s6 =	simm.s32 @!p1 $0x1082;
	[sflag:s4] =	ssyncset.s32 $0xFFFFF086  }
0x25: {  	[simem:s6], [sflag:s4] =	dma.local [hbm:s3], $0xF7A  }
0x26: {  	[smem:$0x3F97] =	sst s1;
	(tag) =	ssettag s2;
	_ =	strace s9  }
0x27: {  	s1 =	sld [smem:$0x3FA7]  }
0x28: {  	s2 =	sld [smem:$0x3FA8]  }
0x29: {  	s4 =	sld [smem:$0x3FAA]  }
0x2a: {  	p0 =	seq.s32 s5, $0x0;
	s5 =	sld [smem:$0x3FAB]  }
0x2b: {  	s6 =	sld [smem:$0x3FAC]  }
0x2c: {  	s7 =	sld [smem:$0x3FAD]  }
0x2d: {  	s3 =	simm.s32 $0x108;
	s8 =	sld [smem:$0x3FAE]  }
0x2e: {  	s3 =	simm.s32 @!p0 $0x1082;
	s9 =	sld [smem:$0x3FAF]  }
0x2f: {  	lr =	sadd.s32 s0, s3;
	s0 =	sld [smem:$0x3FA6]  }
0x30: {  	s3 =	sld [smem:$0x3FA9]  }
0x31: {  	[smem:$0x3FB2] =	sst s10  }
0x32: {  	s10 =	sld [smem:$0x3FB0];
	_ =	sdelay $0x3  }
0x33: {  	p0 =	seq.s32 s10, $0x1;
	s10 =	sld [smem:$0x3FB2];
	_ =	sdelay $0x3  }
0x34: {  	[smem:$0x3FB2] =	sst s10  }
0x35: {  	s10 =	sld [smem:$0x3FB1];
	_ =	sdelay $0x3  }
0x36: {  	p1 =	seq.s32 s10, $0x1;
	s10 =	sld [smem:$0x3FB2];
	_ =	sdelay $0x3  }
0x37: {  	[smem:$0x3FB2] =	sst s10  }
0x38: {  	s10 =	sld [smem:$0x3FB3]  }
0x39: {  	_ = 	snop;
	(pc) =	sbr.ind lr, $3  }
0x3a: {  	_ = 	snop  }
0x3b: {  	_ = 	snop  }
0x3c: {  	p2 =	seq.s32 s10, $0x1;
	s10 =	sld [smem:$0x3FB2]  }
0x3d: {  	_ =	shalt  }
0x3e: {  	_ =	shalt  }
0x3f: {  	_ =	shalt  }
0x40: {  	_ =	shalt  }
0x41: {  	_ =	shalt  }
0x42: {  	_ =	shalt  }
0x43: {  	_ =	shalt  }
0x44: {  	_ =	shalt  }
0x45: {  	_ =	shalt  }
0x46: {  	_ =	shalt  }
0x47: {  	_ =	shalt  }
0x48: {  	_ =	shalt  }
0x49: {  	_ =	shalt  }
0x4a: {  	_ =	shalt  }
0x4b: {  	_ =	shalt  }
0x4c: {  	_ =	shalt  }
0x4d: {  	_ =	shalt  }
0x4e: {  	_ =	shalt  }
0x4f: {  	_ =	shalt  }
0x50: {  	_ =	shalt  }
0x51: {  	_ =	shalt  }
0x52: {  	_ =	shalt  }
0x53: {  	_ =	shalt  }
0x54: {  	_ =	shalt  }
0x55: {  	_ =	shalt  }
0x56: {  	_ =	shalt  }
0x57: {  	_ =	shalt  }
0x58: {  	_ =	shalt  }
0x59: {  	_ =	shalt  }
0x5a: {  	_ =	shalt  }
0x5b: {  	_ =	shalt  }
0x5c: {  	_ =	shalt  }
0x5d: {  	_ =	shalt  }
0x5e: {  	_ =	shalt  }
0x5f: {  	_ =	shalt  }
0x60: {  	_ =	shalt  }
0x61: {  	_ =	shalt  }
0x62: {  	_ =	shalt  }
0x63: {  	_ =	shalt  }
0x64: {  	_ =	shalt  }
0x65: {  	_ =	shalt  }
0x66: {  	_ =	shalt  }
0x67: {  	_ =	shalt  }
0x68: {  	_ =	shalt  }
0x69: {  	_ =	shalt  }
0x6a: {  	_ =	shalt  }
0x6b: {  	_ =	shalt  }
0x6c: {  	_ =	shalt  }
0x6d: {  	_ =	shalt  }
0x6e: {  	_ =	shalt  }
0x6f: {  	_ =	shalt  }
0x70: {  	_ =	shalt  }
0x71: {  	_ =	shalt  }
0x72: {  	_ =	shalt  }
0x73: {  	_ =	shalt  }
0x74: {  	_ =	shalt  }
0x75: {  	_ =	shalt  }
0x76: {  	_ =	shalt  }
0x77: {  	_ =	shalt  }
0x78: {  	_ =	shalt  }
0x79: {  	_ =	shalt  }
0x7a: {  	_ =	shalt  }
0x7b: {  	_ =	shalt  }
0x7c: {  	_ =	shalt  }
0x7d: {  	_ =	shalt  }
0x7e: {  	_ =	shalt  }
0x7f: {  	_ =	shalt  }
0x80: {  	_ =	shalt  }
0x81: {  	_ =	shalt  }
0x82: {  	_ =	shalt  }
0x83: {  	_ =	shalt  }
0x84: {  	_ =	shalt  }
0x85: {  	_ =	shalt  }
0x86: {  	_ =	shalt  }
0x87: {  	_ =	shalt  }
.Lfunc_end0:
.L_simem_size_0:
called_computation_lowered:
.L_overlay_start_0:
0x88: {  	s2 =	sld [smem:$0x3FD9]  }
0x89: {  	s3 =	sld [smem:$0x3FFE];
	_ =	sdelay $0x1  }
0x8a: {  	s1 =	srdreg.scid  }
0x8b: {  	s0 =	sand.u32 $0x1, s1  }
0x8c: {  	s17 =	sshll.u32 s0, $0xA;
	s2 =	sadd.s32 s3, s2  }
0x8d: {  	s2 =	sadd.s32 s2, s17  }
0x8e: {  	[smem:$0x3FBE] =	sst s2  }
0x8f: {  	_ = 	snop  }
0x90: {  	s2 =	sld [smem:$0x3FC7]  }
0x91: {  	s18 =	sld [smem:$0x3FD0];
	(tm) =	ssettm $0x1  }
0x92: {  	s4 =	sld [smem:$0x3FFB];
	_ =	sdelay $0x3  }
0x93: {  	_ =	strace s4  }
0x94: {  	s4 =	sld [smem:$0x3FFC];
	_ =	sdelay $0x3  }
0x95: {  	_ =	strace s4  }
0x96: {  	s4 =	sld [smem:$0x3FFD];
	_ =	sdelay $0x3  }
0x97: {  	_ =	strace s4  }
0x98: {  	_ =	strace $0x8FFFFFFF  }
0x99: {  	s19 =	sld [smem:$0x3FDB];
	_ =	sdelay $0x1  }
0x9a: {  	s5 =	simm.s32 $_scs_section_size  }
0x9b: {  	s6 =	simm.s32 $_size__tile_overlayer_lowered;
	s7 =	simm.s32 $_tile_overlayer_lowered  }
0x9c: {  	s22 =	simm.s32 $0x1BFF;
	s21 =	sshll.u32 s7, $0x1;
	s4 =	sadd.s32 s5, s19  }
0x9d: {  	s8 =	simm.s32 $0x0;
	s20 =	sshll.u32 s6, $0x1;
	s6 =	sadd.s32 s21, s4  }
0x9e: {  	[timem:s8], [sflag:s22] =	dma.local [hbm:s6], s20  }
0x9f: {  	_ =	swait.ge [sflag:s22], s20  }
0xa0: {  	s5 =	ssub.s32 $0x0, s20;
	[sflag:s22] =	ssyncset.done $0x0  }
0xa1: {  	[sflag:s22] =	ssyncadd.s32 s5;
	_ =	sdelay $0x1  }
0xa2: {  	s23 =	simm.s32 $0x1B8B  }
0xa3: {  	_ =	swait.ge [sflag:s23], $0x1  }
0xa4: {  	[sflag:s23] =	ssyncset.done $0x0  }
0xa5: {  	s25 =	simm.s32 $0x1B8E;
	s24 =	sld [smem:$0x3FFE];
	[sflag:s23] =	ssyncadd.s32 $0xFFFFFFFF  }
0xa6: {  	s26 =	simm.s32 $execute0_lowered;
	[smem:$0x3FD2] =	sst s25  }
0xa7: {  	s6 =	sshll.u32 s26, $0x1;
	_ =	strace $0x80000046;
	[dreg:$0x1] =	wrdreg $0xFFFFFFFF  }
0xa8: {  	s28 =	simm.s32 $_size_execute0_lowered;
	s4 =	sadd.s32 s4, s6;
	[dreg:$0x0] =	wrdreg $0x0  }
0xa9: {  	s6 =	sshll.u32 s28, $0x1;
	[dreg:$0x2] =	wrdreg s4  }
0xaa: {  	[dreg:$0x3] =	wrdreg s6  }
0xab: {  	[dreg:$0x4] =	wrdreg $0xC0  }
0xac: {  	_ =	task [dreg:s8], $0x5FFFF  }
0xad: {  	[dreg:$0x1] =	wrdreg $0xFFFFFFFF  }
0xae: {  	[dreg:$0x0] =	wrdreg $0x60  }
0xaf: {  	[dreg:$0x2] =	wrdreg s24  }
0xb0: {  	[dreg:$0x3] =	wrdreg s2  }
0xb1: {  	[dreg:$0x4] =	wrdreg s18  }
0xb2: {  	[dreg:$0x5] =	wrdreg $0x72100  }
0xb3: {  	[dreg:$0x6] =	wrdreg $0x6D100  }
0xb4: {  	[dreg:$0x7] =	wrdreg $0x6F900  }
0xb5: {  	[dreg:$0x8] =	wrdreg $0x9  }
0xb6: {  	_ =	task.clear_ibuf [dreg:s8], $0x9FFFF;
	_ =	strace $0x90000046  }
0xb7: {  	s29 =	simm.s32 $0x9;
	_ =	strace $0x80000048  }
0xb8: {  	_ =	swait.ge [sflag:s29], $0x1  }
0xb9: {  	[sflag:s29] =	ssyncadd.s32 $0xFFFFFFFF  }
0xba: {  	_ =	strace $0x90000048  }
0xbb: {  	_ =	sfence  }
0xbc: {  	s30 =	sld [smem:$0x0];
	_ =	sdelay $0x2  }
0xbd: {  	s31 =	sshll.u32 s1, $0xD;
	s1 =	sshrl.u32 s1, $0x2  }
0xbe: {  	s3 =	sand.u32 $0x4000, s31;
	s1 =	sadd.s32 s1, s30  }
0xbf: {  	s0 =	sor.u32 s3, s0;
	s1 =	sshll.u32 s1, $0x11  }
0xc0: {  	s0 =	sor.u32 s1, s0  }
0xc1: {  	s0 =	sadd.s32 $0x8F2B, s0  }
0xc2: {  	[sflag:s0] =	ssyncadd.remote.s32 $0x1  }
0xc3: {  	_ =	sfence.sel $0xFFFF  }
0xc4: {  	[dreg:$0x0] =	wrdreg $0xFFFFFFFF;
	(pc) =	sbr.abs _section_cstart, $3  }
0xc5: {  	[dreg:$0x1] =	wrdreg $0xFFFFFFFF  }
0xc6: {  	_ =	task.clear_ibuf [dreg:s8], $0x2FFFF;
	_ =	strace $0x9FFFFFFF  }
0xc7: {  	(tm) =	ssettm $0x7FFFFFFF  }
tec
execute0_lowered:
.L_overlay_start_1:
0x0: {  	(tag) =	ssettag $0x1  }
0x1: {  	s0 =	rddreg [dreg:$0x0]  }
0x2: {  	s1 =	rddreg [dreg:$0x1]  }
0x3: {  	s3 =	rddreg [dreg:$0x3]  }
0x4: {  	s4 =	rddreg [dreg:$0x4]  }
0x5: {  	s14 =	rddreg [dreg:$0x5];
	s7 =	simm.s32 $0x0;
	s2 =	srdreg.scid  }
0x6: {  	s6 =	stileid.u32;
	s29 =	simm.s32 $0x2;
	s30 =	simm.s32 $0x5280  }
0x7: {  	s31 =	simm.s32 $0x5000;
	s16 =	simm.s32 $0x1;
	s17 =	simm.s32 $0x0  }
0x8: {  	[smem:$0x7FF] =	sst s7;
	s8 =	sadd.s32 $0x32800, s0;
	s5 =	smul.u32 $0x28000, s6  }
0x9: {  	s2 =	sand.u32 $0x1, s2;
	s9 =	sadd.s32 $0x28A00, s0;
	s12 =	smul.u32 $0xA000, s6  }
0xa: {  	s10 =	sadd.s32 $0x1600, s0;
	s23 =	smul.u32 $0x280, s6;
	p1 =	seq.s32 s6, $0xF  }
0xb: {  	_ =	strace $0x80000047;
	[dreg:$0x7] =	wrdreg s10;
	s19 =	smul.u32 $0x13880, s2  }
0xc: {  	s11 =	ssub.s32 $0x2, s2;
	s2 =	sor.u32 s6, s2;
	s5 =	sshrl.u32 s5, $0x2  }
0xd: {  	s20 =	sshrl.u32 s11, $0x1;
	s26 =	sadd.s32 s23, s14;
	p0 =	sne.s32 s2, $0x0  }
0xe: {  	s2 =	sshrl.u32 s12, $0x3;
	s14 =	simm.s32 $0x69A0;
	s5 =	sadd.s32 s5, s3  }
0xf: {  	s0 =	sadd.s32 s19, s0;
	[dreg:$0xf] =	wrdreg s26;
	s13 =	sadd.s32 $0x1400, s5  }
0x10: {  	s10 =	ssub.s32 s11, s20;
	s21 =	sadd.s32 $0x2800, s5;
	[dreg:$0x8] =	wrdreg s13  }
0x11: {  	s11 =	sadd.s32 s12, s3;
	s22 =	sadd.s32 $0x3C00, s5;
	[dreg:$0x9] =	wrdreg s21  }
0x12: {  	s19 =	sadd.s32 s23, s4;
	s15 =	sadd.s32 $0x5000, s5;
	[dreg:$0xa] =	wrdreg s22  }
0x13: {  	s26 =	smul.u32 $0x4E20, s6;
	s24 =	sadd.s32 $0x6400, s5;
	[dreg:$0xb] =	wrdreg s15  }
0x14: {  	s12 =	simm.s32 $0x6900;
	s25 =	sadd.s32 $0x7800, s5;
	[dreg:$0xc] =	wrdreg s24  }
0x15: {  	v0 =	vimm.f32 $0.0e+00;
	v1 =	vimm.s32 $0x0;
	s5 =	sadd.s32 $0x8C00, s5;
	s28 =	smax.u32 s10, $0x1;
	[dreg:$0xd] =	wrdreg s25  }
0x16: {  	v2 =	vimm.s32 $0x1;
	v3 =	vimm.s32 $0x2;
	v4 =	vimm.s32 $0x3;
	s10 =	simm.s32 $0x2800;
	[dreg:$0xe] =	wrdreg s5;
	s21 =	sadd.s32 $0x1800, s0  }
0x17: {  	v5 =	vimm.s32 $0x4;
	v6 =	vimm.s32 $0x5;
	v7 =	vimm.s32 $0x6;
	s22 =	sadd.s32 $0x3C600, s0;
	s0 =	sadd.s32 $0x96000, s3;
	[dreg:$0x10] =	wrdreg s28  }
0x18: {  	v8 =	vimm.s32 $0x7;
	v9 =	vimm.s32 $0x8;
	v10 =	vimm.s32 $0x9;
	s24 =	simm.s32 $0x6680;
	s5 =	simm.s32 $0x80;
	s13 =	simm.s32 $0x6950  }
0x19: {  	v11 =	vimm.s32 $0xA;
	v12 =	vimm.s32 $0xB;
	v13 =	vimm.s32 $0xC;
	s15 =	simm.s32 $0x50;
	s0 =	sshrl.u32 @p1 s0, $0x3;
	s25 =	sadd.s32 @!p1 s2, s22  }
0x1a: {  	v14 =	vimm.s32 $0xD;
	v15 =	vimm.s32 $0xE;
	v16 =	vimm.s32 $0xF;
	s2 =	simm.s32 $0x6B80;
	[dreg:$0x11] =	wrdreg s0;
	s0 =	simm.s32 $0x69F0  }
.LBB2_1:
0x1b: {  	s18 =	rddreg [dreg:$0x7]  }
0x1c: {  	[tilespmem:s24], [sflag:$0x2] =	stream.linear.gather [hbm4b:s18+s7], $0x280, $0x38;
	[tilespmem:$0x11210] =	vst v63  }
0x1d: {  	_ =	swait.ge [sflag:s29], $0x280  }
0x1e: {  	[sflag:s29] =	ssyncset.done $0x0  }
0x1f: {  	s18 =	simm.s32 $0x0;
	[sflag:s29] =	ssyncadd.s32 $0xFFFFFD80  }
.LBB2_2:
0x20: {  	p2 =	sne.s32 s18, $0x9FC0  }
.Ltmp0:
0x21: {  	_ = 	snop;
	(pc) =	sbr.rel @p2 .LBB2_2-.Ltmp0, $3  }
0x22: {  	_ =	sdelay $0x1  }
0x23: {  	s20 =	sshra.s32 s18, $0x2  }
0x24: {  	s18 =	sadd.s32 $0x40, s18;
	[tilespmem:s20+$0x0] =	vst v0  }
0x25: {  	s20 =	simm.s32 $0x100;
	s18 =	simm.s32 $0x0  }
.LBB2_4:
0x26: {  	p2 =	sne.s32 s20, $0x4F00;
	[tilespmem:s18+$0x52B0] =	vst v0;
	s23 =	smov.u32 s20;
	s20 =	sadd.s32 $0x100, s20  }
.Ltmp1:
0x27: {  	[tilespmem:s18+$0x52A0] =	vst v0;
	(pc) =	sbr.rel @p2 .LBB2_4-.Ltmp1, $3  }
0x28: {  	[tilespmem:s18+$0x5280] =	vst v0  }
0x29: {  	[tilespmem:s18+$0x5290] =	vst v0;
	_ =	sdelay $0x1  }
0x2a: {  	s18 =	sshra.s32 s23, $0x2  }
0x2b: {  	[tilespmem:s18+$0x52B0] =	vst v0  }
0x2c: {  	[tilespmem:s18+$0x52A0] =	vst v0  }
0x2d: {  	[tilespmem:s18+$0x5280] =	vst v0  }
0x2e: {  	[tilespmem:s18+$0x5290] =	vst v0  }
0x2f: {  	[tilespmem:$0x5000] =	vst v0  }
0x30: {  	[tilespmem:$0x5010] =	vst v0  }
0x31: {  	[tilespmem:$0x5020] =	vst v0  }
0x32: {  	[tilespmem:$0x5030] =	vst v0  }
0x33: {  	[tilespmem:$0x5040] =	vst v0  }
0x34: {  	[tilespmem:$0x5050] =	vst v0  }
0x35: {  	[tilespmem:$0x5060] =	vst v0  }
0x36: {  	[tilespmem:$0x5070] =	vst v0  }
0x37: {  	[tilespmem:$0x5080] =	vst v0  }
0x38: {  	[tilespmem:$0x5090] =	vst v0  }
0x39: {  	[tilespmem:$0x50A0] =	vst v0  }
0x3a: {  	[tilespmem:$0x50B0] =	vst v0  }
0x3b: {  	[tilespmem:$0x50C0] =	vst v0  }
0x3c: {  	[tilespmem:$0x50D0] =	vst v0  }
0x3d: {  	[tilespmem:$0x50E0] =	vst v0  }
0x3e: {  	[tilespmem:$0x50F0] =	vst v0  }
0x3f: {  	[tilespmem:$0x5100] =	vst v0  }
0x40: {  	[tilespmem:$0x5110] =	vst v0  }
0x41: {  	[tilespmem:$0x5120] =	vst v0  }
0x42: {  	[tilespmem:$0x5130] =	vst v0  }
0x43: {  	[tilespmem:$0x5140] =	vst v0  }
0x44: {  	[tilespmem:$0x5150] =	vst v0  }
0x45: {  	[tilespmem:$0x5160] =	vst v0  }
0x46: {  	[tilespmem:$0x5170] =	vst v0  }
0x47: {  	[tilespmem:$0x5180] =	vst v0  }
0x48: {  	[tilespmem:$0x5190] =	vst v0  }
0x49: {  	[tilespmem:$0x51A0] =	vst v0  }
0x4a: {  	[tilespmem:$0x51B0] =	vst v0  }
0x4b: {  	[tilespmem:$0x51C0] =	vst v0  }
0x4c: {  	[tilespmem:$0x51D0] =	vst v0  }
0x4d: {  	[tilespmem:$0x51E0] =	vst v0  }
0x4e: {  	[tilespmem:$0x51F0] =	vst v0  }
0x4f: {  	[tilespmem:$0x5200] =	vst v0  }
0x50: {  	[tilespmem:$0x5210] =	vst v0  }
0x51: {  	[tilespmem:$0x5220] =	vst v0  }
0x52: {  	[tilespmem:$0x5230] =	vst v0  }
0x53: {  	[tilespmem:$0x5240] =	vst v0  }
0x54: {  	[tilespmem:$0x5250] =	vst v0  }
0x55: {  	[tilespmem:$0x5260] =	vst v0  }
0x56: {  	[tilespmem:$0x5270] =	vst v0  }
0x57: {  	[spmem:s11] =	stream.linear.scatter [tilespmem:s30], [sflag:$0x2], $0x1400, $0x38;
	[tilespmem:$0x11210] =	vst v63  }
0x58: {  	_ =	swait.ge [sflag:s29], $0x1400  }
0x59: {  	[sflag:s29] =	ssyncset.done $0x0  }
0x5a: {  	s28 =	rddreg [dreg:$0x8];
	[sflag:s29] =	ssyncadd.s32 $0xFFFFEC00  }
0x5b: {  	[spmem:s28] =	stream.linear.scatter [tilespmem:s30], [sflag:$0x2], $0x1400, $0x38;
	[tilespmem:$0x11210] =	vst v63  }
0x5c: {  	_ =	swait.ge [sflag:s29], $0x1400  }
0x5d: {  	[sflag:s29] =	ssyncset.done $0x0  }
0x5e: {  	s20 =	rddreg [dreg:$0x9];
	[sflag:s29] =	ssyncadd.s32 $0xFFFFEC00  }
0x5f: {  	[spmem:s20] =	stream.linear.scatter [tilespmem:s30], [sflag:$0x2], $0x1400, $0x38;
	[tilespmem:$0x11210] =	vst v63  }
0x60: {  	_ =	swait.ge [sflag:s29], $0x1400  }
0x61: {  	[sflag:s29] =	ssyncset.done $0x0  }
0x62: {  	s23 =	rddreg [dreg:$0xa];
	[sflag:s29] =	ssyncadd.s32 $0xFFFFEC00  }
0x63: {  	[spmem:s23] =	stream.linear.scatter [tilespmem:s30], [sflag:$0x2], $0x1400, $0x38;
	[tilespmem:$0x11210] =	vst v63  }
0x64: {  	_ =	swait.ge [sflag:s29], $0x1400  }
0x65: {  	[sflag:s29] =	ssyncset.done $0x0  }
0x66: {  	s28 =	rddreg [dreg:$0xb];
	[sflag:s29] =	ssyncadd.s32 $0xFFFFEC00  }
0x67: {  	[spmem:s28] =	stream.linear.scatter [tilespmem:s30], [sflag:$0x2], $0x1400, $0x38;
	[tilespmem:$0x11210] =	vst v63  }
0x68: {  	_ =	swait.ge [sflag:s29], $0x1400  }
0x69: {  	[sflag:s29] =	ssyncset.done $0x0  }
0x6a: {  	s20 =	rddreg [dreg:$0xc];
	[sflag:s29] =	ssyncadd.s32 $0xFFFFEC00  }
0x6b: {  	[spmem:s20] =	stream.linear.scatter [tilespmem:s30], [sflag:$0x2], $0x1400, $0x38;
	[tilespmem:$0x11210] =	vst v63  }
0x6c: {  	_ =	swait.ge [sflag:s29], $0x1400  }
0x6d: {  	[sflag:s29] =	ssyncset.done $0x0  }
0x6e: {  	s23 =	rddreg [dreg:$0xd];
	[sflag:s29] =	ssyncadd.s32 $0xFFFFEC00  }
0x6f: {  	[spmem:s23] =	stream.linear.scatter [tilespmem:s30], [sflag:$0x2], $0x1400, $0x38;
	[tilespmem:$0x11210] =	vst v63  }
0x70: {  	_ =	swait.ge [sflag:s29], $0x1400  }
0x71: {  	[sflag:s29] =	ssyncset.done $0x0  }
0x72: {  	s28 =	rddreg [dreg:$0xe];
	[sflag:s29] =	ssyncadd.s32 $0xFFFFEC00  }
0x73: {  	[spmem:s28] =	stream.linear.scatter [tilespmem:s30], [sflag:$0x2], $0x1400, $0x38;
	[tilespmem:$0x11210] =	vst v63  }
0x74: {  	_ =	swait.ge [sflag:s29], $0x1400  }
0x75: {  	[sflag:s29] =	ssyncset.done $0x0  }
0x76: {  	[sflag:s29] =	ssyncadd.s32 $0xFFFFEC00  }
0x77: {  	[spmem:s19] =	stream.linear.scatter [tilespmem:s31], [sflag:$0x2], $0x280, $0x38;
	[tilespmem:$0x11210] =	vst v63  }
0x78: {  	_ =	swait.ge [sflag:s29], $0x280  }
0x79: {  	[sflag:s29] =	ssyncset.done $0x0  }
0x7a: {  	[sflag:s29] =	ssyncadd.s32 $0xFFFFFD80  }
0x7b: {  	s18 =	simm.s32 $0x0;
	s20 =	simm.s32 $0x0;
	[bflag:$0x0] =	sbarrier.arrive $0xFFFF  }
.LBB2_6:
0x7c: {  	s23 =	smul.u32 $0x190, s20;
	_ =	sdelay $0x1  }
0x7d: {  	s23 =	sadd.s32 s26, s23  }
0x7e: {  	s23 =	sshrl.u32 s23, $0x3  }
0x7f: {  	s28 =	sadd.s32 s9, s23  }
0x80: {  	[tilespmem:s0], [sflag:$0x2] =	stream.linear.gather [hbm4b:s28+s18], $0x190, $0x38;
	[tilespmem:$0x11210] =	vst v63  }
0x81: {  	_ =	swait.ge [sflag:s29], $0x190  }
0x82: {  	[sflag:s29] =	ssyncset.done $0x0  }
0x83: {  	s23 =	sadd.s32 s1, s23;
	[sflag:s29] =	ssyncadd.s32 $0xFFFFFE70  }
0x84: {  	[tilespmem:s2], [sflag:$0x2] =	stream.linear.gather [hbm4b:s23+s18], $0x190, $0x38;
	[tilespmem:$0x11210] =	vst v63  }
0x85: {  	_ =	swait.ge [sflag:s29], $0x190  }
0x86: {  	[sflag:s29] =	ssyncset.done $0x0  }
0x87: {  	s28 =	simm.s32 $0x0;
	s23 =	simm.s32 $0x40;
	[sflag:s29] =	ssyncadd.s32 $0xFFFFFE70  }
.LBB2_7:
0x88: {  	p2 =	sne.s32 s23, $0x600;
	v17 =	vld [tilespmem:s28+$0x69F0];
	_ =	sdelay $0x2  }
0x89: {  	v18 =	vld [tilespmem:s28+$0x6B80]  }
.Ltmp2:
0x8a: {  	(pc) =	sbr.rel @p2 .LBB2_7-.Ltmp2, $2  }
0x8b: {  	_ =	sdelay $0x2  }
0x8c: {  	s28 =	sshra.s32 s23, $0x2;
	s23 =	sadd.s32 $0x40, s23;
	[tilespmem:v17+s7+$0x0] =	vst.idx.add.f32.msk $0xffff, v18  }
0x8d: {  	v17 =	vld [tilespmem:s28+$0x69F0];
	_ =	sdelay $0x1  }
0x8e: {  	s20 =	sadd.s32 $0x1, s20  }
0x8f: {  	v18 =	vld [tilespmem:s28+$0x6B80];
	p2 =	sne.s32 s20, $0x32  }
.Ltmp3:
0x90: {  	_ = 	snop;
	(pc) =	sbr.rel @p2 .LBB2_6-.Ltmp3, $2  }
0x91: {  	_ =	sdelay $0x2  }
0x92: {  	[tilespmem:v17+s7+$0x0] =	vst.idx.add.f32.msk $0xffff, v18  }
0x93: {  	s18 =	simm.s32 $0x0  }
0x94: {  	[spmem:s4] =	stream.indirect.scatter.add.f32 [tilespmem:s18], [sflag:$0x2], $0x10, s24, s5, $0xb8;
	[tilespmem:$0x11210] =	vst v63  }
0x95: {  	_ =	swait.ge [sflag:s29], $0x800  }
0x96: {  	[sflag:s29] =	ssyncset.done $0x0  }
0x97: {  	s23 =	simm.s32 $0x6700;
	s20 =	simm.s32 $0x800;
	[sflag:s29] =	ssyncadd.s32 $0xFFFFF800  }
0x98: {  	[spmem:s4] =	stream.indirect.scatter.add.f32 [tilespmem:s20], [sflag:$0x2], $0x10, s23, s5, $0xb8;
	[tilespmem:$0x11210] =	vst v63  }
0x99: {  	_ =	swait.ge [sflag:s29], $0x800  }
0x9a: {  	[sflag:s29] =	ssyncset.done $0x0  }
0x9b: {  	s28 =	simm.s32 $0x1000;
	s24 =	simm.s32 $0x6780;
	[sflag:s29] =	ssyncadd.s32 $0xFFFFF800  }
0x9c: {  	[spmem:s4] =	stream.indirect.scatter.add.f32 [tilespmem:s28], [sflag:$0x2], $0x10, s24, s5, $0xb8;
	[tilespmem:$0x11210] =	vst v63  }
0x9d: {  	_ =	swait.ge [sflag:s29], $0x800  }
0x9e: {  	[sflag:s29] =	ssyncset.done $0x0  }
0x9f: {  	s20 =	simm.s32 $0x6800;
	s23 =	simm.s32 $0x1800;
	[sflag:s29] =	ssyncadd.s32 $0xFFFFF800  }
0xa0: {  	[spmem:s4] =	stream.indirect.scatter.add.f32 [tilespmem:s23], [sflag:$0x2], $0x10, s20, s5, $0xb8;
	[tilespmem:$0x11210] =	vst v63  }
0xa1: {  	_ =	swait.ge [sflag:s29], $0x800  }
0xa2: {  	[sflag:s29] =	ssyncset.done $0x0  }
0xa3: {  	s24 =	simm.s32 $0x6880;
	s28 =	simm.s32 $0x2000;
	[sflag:s29] =	ssyncadd.s32 $0xFFFFF800  }
0xa4: {  	[spmem:s4] =	stream.indirect.scatter.add.f32 [tilespmem:s28], [sflag:$0x2], $0x10, s24, s5, $0xb8;
	[tilespmem:$0x11210] =	vst v63  }
0xa5: {  	_ =	swait.ge [sflag:s29], $0x800  }
0xa6: {  	[sflag:s29] =	ssyncset.done $0x0  }
0xa7: {  	[sflag:s29] =	ssyncadd.s32 $0xFFFFF800  }
0xa8: {  	[bflag:$0x0] =	sbarrier.arrive $0xFFFF  }
0xa9: {  	[tilespmem:s31], [sflag:$0x2] =	stream.linear.gather [spmem:s19], $0x280, $0x38;
	[tilespmem:$0x11210] =	vst v63  }
0xaa: {  	_ =	swait.ge [sflag:s29], $0x280  }
0xab: {  	[sflag:s29] =	ssyncset.done $0x0  }
0xac: {  	s18 =	simm.s32 $0x0;
	s20 =	simm.s32 $0x40;
	[sflag:s29] =	ssyncadd.s32 $0xFFFFFD80  }
.LBB2_10:
0xad: {  	p2 =	sne.s32 s20, $0x9C0;
	v17 =	vld [tilespmem:s18+$0x5000];
	_ =	sdelay $0x4  }
0xae: {  	v17 =	vadd.f32 $1.000000000e+00, v17;
	_ =	sdelay $0x1  }
0xaf: {  	v18 =	vshra.s32 v17, $0x1;
	v19 =	vmul.f32 $5.000000000e-01, v17  }
0xb0: {  	v18 =	vsub.s32 $0x5F3759DF, v18  }
0xb1: {  	v20 =	vmul.f32 v18, v19;
	_ =	sdelay $0x1  }
0xb2: {  	v20 =	vmul.f32 v18, v20;
	_ =	sdelay $0x1  }
0xb3: {  	v20 =	vsub.f32 $1.500000000e+00, v20;
	_ =	sdelay $0x1  }
0xb4: {  	v18 =	vmul.f32 v18, v20;
	_ =	sdelay $0x1  }
0xb5: {  	v20 =	vmul.f32 v18, v19;
	_ =	sdelay $0x1  }
0xb6: {  	v20 =	vmul.f32 v20, v18;
	_ =	sdelay $0x1  }
0xb7: {  	v20 =	vsub.f32 $1.500000000e+00, v20;
	_ =	sdelay $0x1  }
0xb8: {  	v18 =	vmul.f32 v20, v18;
	_ =	sdelay $0x1  }
0xb9: {  	v20 =	vmul.f32 v18, v19;
	_ =	sdelay $0x1  }
0xba: {  	v20 =	vmul.f32 v20, v18;
	_ =	sdelay $0x1  }
0xbb: {  	v20 =	vsub.f32 $1.500000000e+00, v20;
	_ =	sdelay $0x1  }
0xbc: {  	v18 =	vmul.f32 v20, v18;
	_ =	sdelay $0x1  }
0xbd: {  	v19 =	vmul.f32 v18, v19;
	_ =	sdelay $0x1  }
0xbe: {  	v19 =	vmul.f32 v19, v18;
	_ =	sdelay $0x1  }
0xbf: {  	v19 =	vsub.f32 $1.500000000e+00, v19  }
.Ltmp4:
0xc0: {  	(pc) =	sbr.rel @p2 .LBB2_10-.Ltmp4, $4  }
0xc1: {  	v18 =	vmul.f32 v19, v18  }
0xc2: {  	vm0 =	vgt.f32 v17, $0.0e+00  }
0xc3: {  	v17 =	vnsel vm0, $0x0, v18  }
0xc4: {  	[tilespmem:s18+$0x5000] =	vst v17;
	s18 =	sshra.s32 s20, $0x2;
	s20 =	sadd.s32 $0x40, s20  }
0xc5: {  	v17 =	vld [tilespmem:s18+$0x5000];
	_ =	sdelay $0x4  }
0xc6: {  	v17 =	vadd.f32 $1.000000000e+00, v17;
	_ =	sdelay $0x1  }
0xc7: {  	v18 =	vshra.s32 v17, $0x1;
	v19 =	vmul.f32 $5.000000000e-01, v17  }
0xc8: {  	v18 =	vsub.s32 $0x5F3759DF, v18  }
0xc9: {  	v20 =	vmul.f32 v18, v19;
	_ =	sdelay $0x1  }
0xca: {  	v20 =	vmul.f32 v18, v20;
	_ =	sdelay $0x1  }
0xcb: {  	v20 =	vsub.f32 $1.500000000e+00, v20;
	_ =	sdelay $0x1  }
0xcc: {  	v18 =	vmul.f32 v18, v20;
	_ =	sdelay $0x1  }
0xcd: {  	v20 =	vmul.f32 v18, v19;
	_ =	sdelay $0x1  }
0xce: {  	v20 =	vmul.f32 v20, v18;
	_ =	sdelay $0x1  }
0xcf: {  	v20 =	vsub.f32 $1.500000000e+00, v20;
	_ =	sdelay $0x1  }
0xd0: {  	v18 =	vmul.f32 v20, v18;
	_ =	sdelay $0x1  }
0xd1: {  	v20 =	vmul.f32 v18, v19;
	_ =	sdelay $0x1  }
0xd2: {  	v20 =	vmul.f32 v20, v18;
	_ =	sdelay $0x1  }
0xd3: {  	v20 =	vsub.f32 $1.500000000e+00, v20;
	_ =	sdelay $0x1  }
0xd4: {  	v18 =	vmul.f32 v20, v18;
	_ =	sdelay $0x1  }
0xd5: {  	v19 =	vmul.f32 v18, v19;
	_ =	sdelay $0x1  }
0xd6: {  	v19 =	vmul.f32 v19, v18;
	_ =	sdelay $0x1  }
0xd7: {  	v19 =	vsub.f32 $1.500000000e+00, v19;
	_ =	sdelay $0x1  }
0xd8: {  	v18 =	vmul.f32 v19, v18  }
0xd9: {  	vm0 =	vgt.f32 v17, $0.0e+00  }
0xda: {  	v17 =	vnsel vm0, $0x0, v18  }
0xdb: {  	s28 =	rddreg [dreg:$0xf];
	[tilespmem:s18+$0x5000] =	vst v17  }
0xdc: {  	[spmem:s28] =	stream.linear.scatter [tilespmem:s31], [sflag:$0x2], $0x280, $0x38;
	[tilespmem:$0x11210] =	vst v63  }
0xdd: {  	_ =	swait.ge [sflag:s29], $0x280  }
0xde: {  	[sflag:s29] =	ssyncset.done $0x0  }
0xdf: {  	[sflag:s29] =	ssyncadd.s32 $0xFFFFFD80  }
0xe0: {  	[bflag:$0x0] =	sbarrier.arrive $0xFFFF  }
0xe1: {  	s20 =	rddreg [dreg:$0x5]  }
0xe2: {  	[tilespmem:s10], [sflag:$0x2] =	stream.linear.gather [spmem:s20], $0x2800, $0x38;
	[tilespmem:$0x11210] =	vst v63  }
0xe3: {  	_ =	swait.ge [sflag:s29], $0x2800  }
0xe4: {  	[sflag:s29] =	ssyncset.done $0x0  }
0xe5: {  	s18 =	sshll.u32 @!p0 s6, $0x6;
	[sflag:s29] =	ssyncadd.s32 $0xFFFFD800  }
0xe6: {  	s18 =	sor.u32 @!p0 $0x1C02, s18;
	s20 =	sshrl.u32 @!p0 s20, $0x3;
	s23 =	rddreg [dreg:$0x2]  }
0xe7: {  	[hbm:s23], [sflag:s18] =	dma.local @!p0 [spmem:s20], $0x500  }
0xe8: {  	s18 =	simm.s32 @!p0 $0x2  }
0xe9: {  	_ =	swait.ge @!p0 [sflag:s18], $0x500  }
0xea: {  	[sflag:s18] =	ssyncset.done @!p0 $0x0  }
0xeb: {  	s20 =	simm.s32 $0x0;
	[sflag:s18] =	ssyncadd.s32 @!p0 $0xFFFFFB00;
	s18 =	simm.s32 $0x0  }
.LBB2_12:
0xec: {  	s23 =	smul.u32 $0x50, s20;
	_ =	sdelay $0x1  }
0xed: {  	s23 =	sadd.s32 s26, s23  }
0xee: {  	s23 =	sshrl.u32 s23, $0x3  }
0xef: {  	s28 =	sadd.s32 s8, s23  }
0xf0: {  	[tilespmem:s12], [sflag:$0x2] =	stream.linear.gather [hbm4b:s28+s18], $0x50, $0x38;
	[tilespmem:$0x11210] =	vst v63  }
0xf1: {  	_ =	swait.ge [sflag:s29], $0x50  }
0xf2: {  	[sflag:s29] =	ssyncset.done $0x0  }
0xf3: {  	s28 =	sadd.s32 s9, s23;
	[sflag:s29] =	ssyncadd.s32 $0xFFFFFFB0  }
0xf4: {  	[tilespmem:s13], [sflag:$0x2] =	stream.linear.gather [hbm4b:s28+s18], $0x50, $0x38;
	[tilespmem:$0x11210] =	vst v63  }
0xf5: {  	_ =	swait.ge [sflag:s29], $0x50  }
0xf6: {  	[sflag:s29] =	ssyncset.done $0x0  }
0xf7: {  	s23 =	sadd.s32 s1, s23;
	[sflag:s29] =	ssyncadd.s32 $0xFFFFFFB0  }
0xf8: {  	[tilespmem:s14], [sflag:$0x2] =	stream.linear.gather [hbm4b:s23+s18], $0x50, $0x38;
	[tilespmem:$0x11210] =	vst v63  }
0xf9: {  	_ =	swait.ge [sflag:s29], $0x50  }
0xfa: {  	[sflag:s29] =	ssyncset.done $0x0  }
0xfb: {  	[sflag:s29] =	ssyncadd.s32 $0xFFFFFFB0  }
0xfc: {  	[tilespmem:s30], [sflag:$0x1] =	stream.indirect.gather [hbm4b:s21+s15], $0x40, s12, s15, $0xb8;
	[tilespmem:$0x11210] =	vst v63  }
0xfd: {  	_ =	swait.ge [sflag:s16], $0x1400  }
0xfe: {  	[sflag:s16] =	ssyncset.done $0x0  }
0xff: {  	s28 =	simm.s32 $0x5480;
	s23 =	simm.s32 $0x0;
	[sflag:s16] =	ssyncadd.s32 $0xFFFFEC00  }
.LBB2_13:
0x100: {  	s24 =	sshra.s32 s23, $0x2  }
0x101: {  	v17 =	vld [tilespmem:s24+$0x6900];
	_ =	sdelay $0x1  }
0x102: {  	v18 =	vld [tilespmem:s24+$0x6950];
	_ =	sdelay $0x4  }
0x103: {  	v19 =	vld [tilespmem:s24+$0x69A0]  }
0x104: {  	v17 =	vld.idx.msk [tilespmem:v17+s10+$0x0], $0xffff;
	_ =	sdelay $0x1  }
0x105: {  	v18 =	vld.idx.msk [tilespmem:v18+s10+$0x0], $0xffff;
	_ =	sdelay $0x2  }
0x106: {  	v17 =	vmul.f32 v17, v19  }
0x107: {  	v19 =	vld [tilespmem:s28+$0xFFFFFE00]  }
0x108: {  	v17 =	vmul.f32 v18, v17;
	_ =	sdelay $0x1  }
0x109: {  	v18 =	vperm.xlane v17, v1;
	_ =	sdelay $0x1  }
0x10a: {  	v19 =	vmul.f32 v19, v18;
	_ =	sdelay $0x1  }
0x10b: {  	[tilespmem:s28+$0xFFFFFE00] =	vst v19;
	v19 =	vld [tilespmem:s28+$0xFFFFFE10];
	_ =	sdelay $0x4  }
0x10c: {  	v19 =	vmul.f32 v19, v18;
	_ =	sdelay $0x1  }
0x10d: {  	[tilespmem:s28+$0xFFFFFE10] =	vst v19;
	v19 =	vld [tilespmem:s28+$0xFFFFFE20];
	_ =	sdelay $0x4  }
0x10e: {  	v19 =	vmul.f32 v19, v18;
	_ =	sdelay $0x1  }
0x10f: {  	[tilespmem:s28+$0xFFFFFE20] =	vst v19;
	v19 =	vld [tilespmem:s28+$0xFFFFFE30];
	_ =	sdelay $0x4  }
0x110: {  	v18 =	vmul.f32 v19, v18;
	_ =	sdelay $0x1  }
0x111: {  	[tilespmem:s28+$0xFFFFFE30] =	vst v18;
	v18 =	vld [tilespmem:s28+$0xFFFFFE40];
	_ =	sdelay $0x2  }
0x112: {  	v19 =	vperm.xlane v17, v2;
	_ =	sdelay $0x1  }
0x113: {  	v18 =	vmul.f32 v18, v19;
	_ =	sdelay $0x1  }
0x114: {  	[tilespmem:s28+$0xFFFFFE40] =	vst v18;
	v18 =	vld [tilespmem:s28+$0xFFFFFE50];
	_ =	sdelay $0x4  }
0x115: {  	v18 =	vmul.f32 v18, v19;
	_ =	sdelay $0x1  }
0x116: {  	[tilespmem:s28+$0xFFFFFE50] =	vst v18;
	v18 =	vld [tilespmem:s28+$0xFFFFFE60];
	_ =	sdelay $0x4  }
0x117: {  	v18 =	vmul.f32 v18, v19;
	_ =	sdelay $0x1  }
0x118: {  	[tilespmem:s28+$0xFFFFFE60] =	vst v18;
	v18 =	vld [tilespmem:s28+$0xFFFFFE70];
	_ =	sdelay $0x4  }
0x119: {  	v18 =	vmul.f32 v18, v19;
	_ =	sdelay $0x1  }
0x11a: {  	[tilespmem:s28+$0xFFFFFE70] =	vst v18;
	v18 =	vld [tilespmem:s28+$0xFFFFFE80];
	_ =	sdelay $0x2  }
0x11b: {  	v19 =	vperm.xlane v17, v3;
	_ =	sdelay $0x1  }
0x11c: {  	v18 =	vmul.f32 v18, v19;
	_ =	sdelay $0x1  }
0x11d: {  	[tilespmem:s28+$0xFFFFFE80] =	vst v18;
	v18 =	vld [tilespmem:s28+$0xFFFFFE90];
	_ =	sdelay $0x4  }
0x11e: {  	v18 =	vmul.f32 v18, v19;
	_ =	sdelay $0x1  }
0x11f: {  	[tilespmem:s28+$0xFFFFFE90] =	vst v18;
	v18 =	vld [tilespmem:s28+$0xFFFFFEA0];
	_ =	sdelay $0x4  }
0x120: {  	v18 =	vmul.f32 v18, v19;
	_ =	sdelay $0x1  }
0x121: {  	[tilespmem:s28+$0xFFFFFEA0] =	vst v18;
	v18 =	vld [tilespmem:s28+$0xFFFFFEB0];
	_ =	sdelay $0x4  }
0x122: {  	v18 =	vmul.f32 v18, v19;
	_ =	sdelay $0x1  }
0x123: {  	[tilespmem:s28+$0xFFFFFEB0] =	vst v18;
	v18 =	vld [tilespmem:s28+$0xFFFFFEC0];
	_ =	sdelay $0x2  }
0x124: {  	v19 =	vperm.xlane v17, v4;
	_ =	sdelay $0x1  }
0x125: {  	v18 =	vmul.f32 v18, v19;
	_ =	sdelay $0x1  }
0x126: {  	[tilespmem:s28+$0xFFFFFEC0] =	vst v18;
	v18 =	vld [tilespmem:s28+$0xFFFFFED0];
	_ =	sdelay $0x4  }
0x127: {  	v18 =	vmul.f32 v18, v19;
	_ =	sdelay $0x1  }
0x128: {  	[tilespmem:s28+$0xFFFFFED0] =	vst v18;
	v18 =	vld [tilespmem:s28+$0xFFFFFEE0];
	_ =	sdelay $0x4  }
0x129: {  	v18 =	vmul.f32 v18, v19;
	_ =	sdelay $0x1  }
0x12a: {  	[tilespmem:s28+$0xFFFFFEE0] =	vst v18;
	v18 =	vld [tilespmem:s28+$0xFFFFFEF0];
	_ =	sdelay $0x4  }
0x12b: {  	v18 =	vmul.f32 v18, v19;
	_ =	sdelay $0x1  }
0x12c: {  	[tilespmem:s28+$0xFFFFFEF0] =	vst v18;
	v18 =	vld [tilespmem:s28+$0xFFFFFF00];
	_ =	sdelay $0x2  }
0x12d: {  	v19 =	vperm.xlane v17, v5;
	_ =	sdelay $0x1  }
0x12e: {  	v18 =	vmul.f32 v18, v19;
	_ =	sdelay $0x1  }
0x12f: {  	[tilespmem:s28+$0xFFFFFF00] =	vst v18;
	v18 =	vld [tilespmem:s28+$0xFFFFFF10];
	_ =	sdelay $0x4  }
0x130: {  	v18 =	vmul.f32 v18, v19;
	_ =	sdelay $0x1  }
0x131: {  	[tilespmem:s28+$0xFFFFFF10] =	vst v18;
	v18 =	vld [tilespmem:s28+$0xFFFFFF20];
	_ =	sdelay $0x4  }
0x132: {  	v18 =	vmul.f32 v18, v19;
	_ =	sdelay $0x1  }
0x133: {  	[tilespmem:s28+$0xFFFFFF20] =	vst v18;
	v18 =	vld [tilespmem:s28+$0xFFFFFF30];
	_ =	sdelay $0x4  }
0x134: {  	v18 =	vmul.f32 v18, v19;
	_ =	sdelay $0x1  }
0x135: {  	[tilespmem:s28+$0xFFFFFF30] =	vst v18;
	v18 =	vld [tilespmem:s28+$0xFFFFFF40];
	_ =	sdelay $0x2  }
0x136: {  	v19 =	vperm.xlane v17, v6;
	_ =	sdelay $0x1  }
0x137: {  	v18 =	vmul.f32 v18, v19;
	_ =	sdelay $0x1  }
0x138: {  	[tilespmem:s28+$0xFFFFFF40] =	vst v18;
	v18 =	vld [tilespmem:s28+$0xFFFFFF50];
	_ =	sdelay $0x4  }
0x139: {  	v18 =	vmul.f32 v18, v19;
	_ =	sdelay $0x1  }
0x13a: {  	[tilespmem:s28+$0xFFFFFF50] =	vst v18;
	v18 =	vld [tilespmem:s28+$0xFFFFFF60];
	_ =	sdelay $0x4  }
0x13b: {  	v18 =	vmul.f32 v18, v19;
	_ =	sdelay $0x1  }
0x13c: {  	[tilespmem:s28+$0xFFFFFF60] =	vst v18;
	v18 =	vld [tilespmem:s28+$0xFFFFFF70];
	_ =	sdelay $0x4  }
0x13d: {  	v18 =	vmul.f32 v18, v19;
	_ =	sdelay $0x1  }
0x13e: {  	[tilespmem:s28+$0xFFFFFF70] =	vst v18;
	v18 =	vld [tilespmem:s28+$0xFFFFFF80];
	_ =	sdelay $0x2  }
0x13f: {  	v19 =	vperm.xlane v17, v7;
	_ =	sdelay $0x1  }
0x140: {  	v18 =	vmul.f32 v18, v19;
	_ =	sdelay $0x1  }
0x141: {  	[tilespmem:s28+$0xFFFFFF80] =	vst v18;
	v18 =	vld [tilespmem:s28+$0xFFFFFF90];
	_ =	sdelay $0x4  }
0x142: {  	v18 =	vmul.f32 v18, v19;
	_ =	sdelay $0x1  }
0x143: {  	[tilespmem:s28+$0xFFFFFF90] =	vst v18;
	v18 =	vld [tilespmem:s28+$0xFFFFFFA0];
	_ =	sdelay $0x4  }
0x144: {  	v18 =	vmul.f32 v18, v19;
	_ =	sdelay $0x1  }
0x145: {  	[tilespmem:s28+$0xFFFFFFA0] =	vst v18;
	v18 =	vld [tilespmem:s28+$0xFFFFFFB0];
	_ =	sdelay $0x4  }
0x146: {  	v18 =	vmul.f32 v18, v19;
	_ =	sdelay $0x1  }
0x147: {  	[tilespmem:s28+$0xFFFFFFB0] =	vst v18;
	v18 =	vld [tilespmem:s28+$0xFFFFFFC0];
	_ =	sdelay $0x2  }
0x148: {  	v19 =	vperm.xlane v17, v8;
	_ =	sdelay $0x1  }
0x149: {  	v18 =	vmul.f32 v18, v19;
	_ =	sdelay $0x1  }
0x14a: {  	[tilespmem:s28+$0xFFFFFFC0] =	vst v18;
	v18 =	vld [tilespmem:s28+$0xFFFFFFD0];
	_ =	sdelay $0x4  }
0x14b: {  	v18 =	vmul.f32 v18, v19;
	_ =	sdelay $0x1  }
0x14c: {  	[tilespmem:s28+$0xFFFFFFD0] =	vst v18;
	v18 =	vld [tilespmem:s28+$0xFFFFFFE0];
	_ =	sdelay $0x4  }
0x14d: {  	v18 =	vmul.f32 v18, v19;
	_ =	sdelay $0x1  }
0x14e: {  	[tilespmem:s28+$0xFFFFFFE0] =	vst v18;
	v18 =	vld [tilespmem:s28+$0xFFFFFFF0];
	_ =	sdelay $0x4  }
0x14f: {  	v18 =	vmul.f32 v18, v19;
	_ =	sdelay $0x1  }
0x150: {  	[tilespmem:s28+$0xFFFFFFF0] =	vst v18;
	v18 =	vld [tilespmem:s28+$0x0];
	_ =	sdelay $0x2  }
0x151: {  	v19 =	vperm.xlane v17, v9;
	_ =	sdelay $0x1  }
0x152: {  	v18 =	vmul.f32 v18, v19;
	_ =	sdelay $0x1  }
0x153: {  	[tilespmem:s28+$0x0] =	vst v18;
	v18 =	vld [tilespmem:s28+$0x10];
	_ =	sdelay $0x4  }
0x154: {  	v18 =	vmul.f32 v18, v19;
	_ =	sdelay $0x1  }
0x155: {  	[tilespmem:s28+$0x10] =	vst v18;
	v18 =	vld [tilespmem:s28+$0x20];
	_ =	sdelay $0x4  }
0x156: {  	v18 =	vmul.f32 v18, v19;
	_ =	sdelay $0x1  }
0x157: {  	[tilespmem:s28+$0x20] =	vst v18;
	v18 =	vld [tilespmem:s28+$0x30];
	_ =	sdelay $0x4  }
0x158: {  	v18 =	vmul.f32 v18, v19;
	_ =	sdelay $0x1  }
0x159: {  	[tilespmem:s28+$0x30] =	vst v18;
	v18 =	vld [tilespmem:s28+$0x40];
	_ =	sdelay $0x2  }
0x15a: {  	v19 =	vperm.xlane v17, v10;
	_ =	sdelay $0x1  }
0x15b: {  	v18 =	vmul.f32 v18, v19;
	_ =	sdelay $0x1  }
0x15c: {  	[tilespmem:s28+$0x40] =	vst v18;
	v18 =	vld [tilespmem:s28+$0x50];
	_ =	sdelay $0x4  }
0x15d: {  	v18 =	vmul.f32 v18, v19;
	_ =	sdelay $0x1  }
0x15e: {  	[tilespmem:s28+$0x50] =	vst v18;
	v18 =	vld [tilespmem:s28+$0x60];
	_ =	sdelay $0x4  }
0x15f: {  	v18 =	vmul.f32 v18, v19;
	_ =	sdelay $0x1  }
0x160: {  	[tilespmem:s28+$0x60] =	vst v18;
	v18 =	vld [tilespmem:s28+$0x70];
	_ =	sdelay $0x4  }
0x161: {  	v18 =	vmul.f32 v18, v19;
	_ =	sdelay $0x1  }
0x162: {  	[tilespmem:s28+$0x70] =	vst v18;
	v18 =	vld [tilespmem:s28+$0x80];
	_ =	sdelay $0x2  }
0x163: {  	v19 =	vperm.xlane v17, v11;
	_ =	sdelay $0x1  }
0x164: {  	v18 =	vmul.f32 v18, v19;
	_ =	sdelay $0x1  }
0x165: {  	[tilespmem:s28+$0x80] =	vst v18;
	v18 =	vld [tilespmem:s28+$0x90];
	_ =	sdelay $0x4  }
0x166: {  	v18 =	vmul.f32 v18, v19;
	_ =	sdelay $0x1  }
0x167: {  	[tilespmem:s28+$0x90] =	vst v18;
	v18 =	vld [tilespmem:s28+$0xA0];
	_ =	sdelay $0x4  }
0x168: {  	v18 =	vmul.f32 v18, v19;
	_ =	sdelay $0x1  }
0x169: {  	[tilespmem:s28+$0xA0] =	vst v18;
	v18 =	vld [tilespmem:s28+$0xB0];
	_ =	sdelay $0x4  }
0x16a: {  	v18 =	vmul.f32 v18, v19;
	_ =	sdelay $0x1  }
0x16b: {  	[tilespmem:s28+$0xB0] =	vst v18;
	v18 =	vld [tilespmem:s28+$0xC0];
	_ =	sdelay $0x2  }
0x16c: {  	v19 =	vperm.xlane v17, v12;
	_ =	sdelay $0x1  }
0x16d: {  	v18 =	vmul.f32 v18, v19;
	_ =	sdelay $0x1  }
0x16e: {  	[tilespmem:s28+$0xC0] =	vst v18;
	v18 =	vld [tilespmem:s28+$0xD0];
	_ =	sdelay $0x4  }
0x16f: {  	v18 =	vmul.f32 v18, v19;
	_ =	sdelay $0x1  }
0x170: {  	[tilespmem:s28+$0xD0] =	vst v18;
	v18 =	vld [tilespmem:s28+$0xE0];
	_ =	sdelay $0x4  }
0x171: {  	v18 =	vmul.f32 v18, v19;
	_ =	sdelay $0x1  }
0x172: {  	[tilespmem:s28+$0xE0] =	vst v18;
	v18 =	vld [tilespmem:s28+$0xF0];
	_ =	sdelay $0x4  }
0x173: {  	v18 =	vmul.f32 v18, v19;
	_ =	sdelay $0x1  }
0x174: {  	[tilespmem:s28+$0xF0] =	vst v18;
	v18 =	vld [tilespmem:s28+$0x100];
	_ =	sdelay $0x2  }
0x175: {  	v19 =	vperm.xlane v17, v13;
	_ =	sdelay $0x1  }
0x176: {  	v18 =	vmul.f32 v18, v19;
	_ =	sdelay $0x1  }
0x177: {  	[tilespmem:s28+$0x100] =	vst v18;
	v18 =	vld [tilespmem:s28+$0x110];
	_ =	sdelay $0x4  }
0x178: {  	v18 =	vmul.f32 v18, v19;
	_ =	sdelay $0x1  }
0x179: {  	[tilespmem:s28+$0x110] =	vst v18;
	v18 =	vld [tilespmem:s28+$0x120];
	_ =	sdelay $0x4  }
0x17a: {  	v18 =	vmul.f32 v18, v19;
	_ =	sdelay $0x1  }
0x17b: {  	[tilespmem:s28+$0x120] =	vst v18;
	v18 =	vld [tilespmem:s28+$0x130];
	_ =	sdelay $0x4  }
0x17c: {  	v18 =	vmul.f32 v18, v19;
	_ =	sdelay $0x1  }
0x17d: {  	[tilespmem:s28+$0x130] =	vst v18;
	v18 =	vld [tilespmem:s28+$0x140];
	_ =	sdelay $0x2  }
0x17e: {  	v19 =	vperm.xlane v17, v14;
	_ =	sdelay $0x1  }
0x17f: {  	v18 =	vmul.f32 v18, v19;
	_ =	sdelay $0x1  }
0x180: {  	[tilespmem:s28+$0x140] =	vst v18;
	v18 =	vld [tilespmem:s28+$0x150];
	_ =	sdelay $0x4  }
0x181: {  	v18 =	vmul.f32 v18, v19;
	_ =	sdelay $0x1  }
0x182: {  	[tilespmem:s28+$0x150] =	vst v18;
	v18 =	vld [tilespmem:s28+$0x160];
	_ =	sdelay $0x4  }
0x183: {  	v18 =	vmul.f32 v18, v19;
	_ =	sdelay $0x1  }
0x184: {  	[tilespmem:s28+$0x160] =	vst v18;
	v18 =	vld [tilespmem:s28+$0x170];
	_ =	sdelay $0x4  }
0x185: {  	v18 =	vmul.f32 v18, v19;
	_ =	sdelay $0x1  }
0x186: {  	[tilespmem:s28+$0x170] =	vst v18;
	v18 =	vld [tilespmem:s28+$0x180];
	_ =	sdelay $0x2  }
0x187: {  	v19 =	vperm.xlane v17, v15;
	_ =	sdelay $0x1  }
0x188: {  	v18 =	vmul.f32 v18, v19;
	_ =	sdelay $0x1  }
0x189: {  	[tilespmem:s28+$0x180] =	vst v18;
	v18 =	vld [tilespmem:s28+$0x190];
	_ =	sdelay $0x4  }
0x18a: {  	v18 =	vmul.f32 v18, v19;
	_ =	sdelay $0x1  }
0x18b: {  	[tilespmem:s28+$0x190] =	vst v18;
	v18 =	vld [tilespmem:s28+$0x1A0];
	_ =	sdelay $0x4  }
0x18c: {  	v18 =	vmul.f32 v18, v19;
	_ =	sdelay $0x1  }
0x18d: {  	[tilespmem:s28+$0x1A0] =	vst v18;
	v18 =	vld [tilespmem:s28+$0x1B0];
	_ =	sdelay $0x4  }
0x18e: {  	v18 =	vmul.f32 v18, v19;
	_ =	sdelay $0x1  }
0x18f: {  	[tilespmem:s28+$0x1B0] =	vst v18;
	v18 =	vld [tilespmem:s28+$0x1C0];
	_ =	sdelay $0x2  }
0x190: {  	v17 =	vperm.xlane v17, v16;
	_ =	sdelay $0x1  }
0x191: {  	v18 =	vmul.f32 v18, v17;
	_ =	sdelay $0x1  }
0x192: {  	[tilespmem:s28+$0x1C0] =	vst v18;
	v18 =	vld [tilespmem:s28+$0x1D0];
	_ =	sdelay $0x4  }
0x193: {  	v18 =	vmul.f32 v18, v17;
	_ =	sdelay $0x1  }
0x194: {  	[tilespmem:s28+$0x1D0] =	vst v18;
	v18 =	vld [tilespmem:s28+$0x1E0];
	_ =	sdelay $0x4  }
0x195: {  	v18 =	vmul.f32 v18, v17;
	_ =	sdelay $0x1  }
0x196: {  	[tilespmem:s28+$0x1E0] =	vst v18;
	v18 =	vld [tilespmem:s28+$0x1F0];
	_ =	sdelay $0x1  }
0x197: {  	p2 =	sne.s32 s23, $0x100  }
.Ltmp5:
0x198: {  	_ = 	snop;
	(pc) =	sbr.rel @p2 .LBB2_13-.Ltmp5, $3  }
0x199: {  	_ = 	snop  }
0x19a: {  	v17 =	vmul.f32 v18, v17;
	_ =	sdelay $0x1  }
0x19b: {  	s23 =	sadd.s32 $0x40, s23;
	[tilespmem:s28+$0x1F0] =	vst v17;
	s28 =	sadd.s32 $0x400, s28  }
0x19c: {  	s20 =	sadd.s32 $0x1, s20  }
0x19d: {  	p2 =	sne.s32 s20, $0xFA  }
.Ltmp6:
0x19e: {  	_ = 	snop;
	(pc) =	sbr.rel @p2 .LBB2_12-.Ltmp6, $4  }
0x19f: {  	[spmem:s3] =	stream.indirect.scatter.add.f32 [tilespmem:s30], [sflag:$0x2], $0x40, s13, s15, $0xb8;
	[tilespmem:$0x11210] =	vst v63  }
0x1a0: {  	_ =	swait.ge [sflag:s29], $0x1400  }
0x1a1: {  	[sflag:s29] =	ssyncset.done $0x0  }
0x1a2: {  	[sflag:s29] =	ssyncadd.s32 $0xFFFFEC00  }
0x1a3: {  	[bflag:$0x0] =	sbarrier.arrive $0xFFFF  }
0x1a4: {  	s18 =	sadd.s32 @p1 $0x12C00, s22;
	s20 =	simm.s32 @p1 $0x1FC2;
	s23 =	rddreg [dreg:$0x11]  }
0x1a5: {  	[hbm:s18], [sflag:s20] =	dma.local @p1 [spmem:s23], $0xC80  }
0x1a6: {  	s18 =	simm.s32 @p1 $0x2  }
0x1a7: {  	_ =	swait.ge @p1 [sflag:s18], $0xC80  }
0x1a8: {  	s20 =	sshll.u32 @!p1 s6, $0x6;
	[sflag:s18] =	ssyncset.done @p1 $0x0  }
0x1a9: {  	[sflag:s18] =	ssyncadd.s32 @p1 $0xFFFFF380;
	s18 =	sor.u32 @!p1 $0x1C02, s20;
	s20 =	sshrl.u32 @!p1 s11, $0x3  }
0x1aa: {  	[hbm:s25], [sflag:s18] =	dma.local @!p1 [spmem:s20], $0x1400  }
0x1ab: {  	s18 =	simm.s32 @!p1 $0x2  }
0x1ac: {  	_ =	swait.ge @!p1 [sflag:s18], $0x1400  }
0x1ad: {  	s17 =	sadd.s32 $0x1, s17;
	s28 =	rddreg [dreg:$0x10]  }
0x1ae: {  	p2 =	sne.s32 s17, s28  }
.Ltmp7:
0x1af: {  	_ = 	snop;
	(pc) =	sbr.rel @p2 .LBB2_1-.Ltmp7, $3  }
0x1b0: {  	_ =	sdelay $0x1  }
0x1b1: {  	[sflag:s18] =	ssyncset.done @!p1 $0x0  }
0x1b2: {  	s24 =	simm.s32 $0x6680;
	[sflag:s18] =	ssyncadd.s32 @!p1 $0xFFFFEC00  }
0x1b3: {  	_ =	sfence.sel $0x180000  }
0x1b4: {  	[bflag:$0x0] =	sbarrier.arrive $0xFFFF  }
0x1b5: {  	_ =	strace $0x90000047  }
0x1b6: {  	[bflag:$0x2] =	sbarrier.arrive $0xFFFF  }
0x1b7: {  	p0 =	sne.s32 s6, $0x0;
	s0 =	rddreg [dreg:$0x6]  }
0x1b8: {  	s0 =	sadd.s32 @!p0 $0x100000, s0  }
0x1b9: {  	[sflag:s0] =	ssyncadd.tile.s32 @!p0 $0x1;
	_ =	shalt  }
.Lfunc_end2:
_tile_overlayer_lowered:
.L_overlay_start_2:
0x1ba: {  	(tag) =	ssettag $0x2  }
0x1bb: {  	s0 =	rddreg [dreg:$0x0];
	s2 =	stileid.u32  }
0x1bc: {  	s1 =	rddreg [dreg:$0x1];
	p0 =	sne.s32 s2, $0x0  }
0x1bd: {  	s3 =	rddreg [dreg:$0x2];
	[bflag:$0x3] =	sbarrier.arrive $0xFFFF;
	s2 =	simm.s32 @!p0 $0x1C02  }
0x1be: {  	[timem:s3], [sflag:s2] =	dma.local @!p0 [hbm:s0], s1  }
0x1bf: {  	s0 =	simm.s32 @!p0 $0x2  }
0x1c0: {  	_ =	swait.ge @!p0 [sflag:s0], s1  }
0x1c1: {  	s1 =	ssub.s32 @!p0 $0x0, s1;
	[sflag:s0] =	ssyncset.done @!p0 $0x0  }
0x1c2: {  	[sflag:s0] =	ssyncadd.s32 @!p0 s1  }
0x1c3: {  	[bflag:$0x3] =	sbarrier.arrive $0xFFFF  }
0x1c4: {  	_ =	shalt  }

</sc_bundles>
